<compile_context>
chip_gen: v7x
topology: tpu7x:2x2x1
jax: 0.10.2.dev20260603
libtpu: 0.0.44.dev20260713+nightly
codegen_flags: <defaults>
</compile_context>

<pallas_src>
import functools

import jax
import jax.numpy as jnp
from jax import lax
from jax.experimental import pallas as pl
from jax.experimental.pallas import tpu as pltpu
from jax.experimental.pallas import tpu_sc as plsc

_NUM_CORES = 2
_NUM_SUBCORES = 16
_NUM_WORKERS = _NUM_CORES * _NUM_SUBCORES
_LANES = 16
_IDX_CHUNK = 128


def _build_sc_call(B, D, Vu, Vm):
    b_per_w = B // _NUM_WORKERS
    n_chunks = b_per_w // _IDX_CHUNK
    n_groups = b_per_w // _LANES

    mesh = plsc.VectorSubcoreMesh(core_axis_name="c", subcore_axis_name="s")

    @functools.partial(
        pl.kernel,
        mesh=mesh,
        compiler_params=pltpu.CompilerParams(
            needs_layout_passes=False, use_tc_tiling_on_sc=False),
        out_type=jax.ShapeDtypeStruct((B,), jnp.float32),
        scratch_types=[
            pltpu.VMEM((n_chunks, _IDX_CHUNK), jnp.int32),
            pltpu.VMEM((n_chunks, _IDX_CHUNK), jnp.int32),
            pltpu.VMEM((b_per_w, D), jnp.float32),
            pltpu.VMEM((b_per_w, D), jnp.float32),
            pltpu.VMEM((2 * D + 8,), jnp.float32),
            pltpu.VMEM((b_per_w,), jnp.float32),
            pltpu.SemaphoreType.DMA,
        ],
    )
    def sc_call(users_hbm, movies_hbm, ut_hbm, mt_hbm, wb_hbm, out_hbm,
                uidx_v, midx_v, urows_v, mrows_v, w_v, out_v, sem):
        wid = lax.axis_index("s") * _NUM_CORES + lax.axis_index("c")
        base = wid * b_per_w

        pltpu.sync_copy(wb_hbm, w_v)
        for j in range(n_chunks):
            off = base + j * _IDX_CHUNK
            pltpu.sync_copy(users_hbm.at[pl.ds(off, _IDX_CHUNK)], uidx_v.at[j])
            pltpu.sync_copy(movies_hbm.at[pl.ds(off, _IDX_CHUNK)], midx_v.at[j])

        copies = []
        for j in range(n_chunks):
            dst = pl.ds(j * _IDX_CHUNK, _IDX_CHUNK)
            copies.append(pltpu.async_copy(ut_hbm.at[uidx_v.at[j]], urows_v.at[dst], sem))
            copies.append(pltpu.async_copy(mt_hbm.at[midx_v.at[j]], mrows_v.at[dst], sem))
        for c in copies:
            c.wait()

        lane = lax.iota(jnp.int32, _LANES)
        w0 = w_v[pl.ds(0, _LANES)]
        w1 = w_v[pl.ds(_LANES, _LANES)]
        w2 = w_v[pl.ds(2 * _LANES, _LANES)]
        w3 = w_v[pl.ds(3 * _LANES, _LANES)]
        bias_vec = plsc.load_gather(w_v, [jnp.full((_LANES,), 2 * D, jnp.int32)])
        last = lane == (_LANES - 1)
        lane_hi = lane + _LANES

        def row_body(i, carry):
            r = jnp.full((_LANES,), i, jnp.int32)
            u0 = plsc.load_gather(urows_v, [r, lane])
            u1 = plsc.load_gather(urows_v, [r, lane_hi])
            m0 = plsc.load_gather(mrows_v, [r, lane])
            m1 = plsc.load_gather(mrows_v, [r, lane_hi])
            t = u0 * w0 + u1 * w1 + m0 * w2 + m1 * w3
            s = plsc.cumsum(t) + bias_vec
            plsc.store_scatter(out_v, [r], s, mask=last)
            return carry

        lax.fori_loop(0, b_per_w, row_body, 0)

        pltpu.sync_copy(out_v, out_hbm.at[pl.ds(base, b_per_w)])

    return sc_call


def kernel(users, movies, user_table, movie_table, W, b):
    B = users.shape[0]
    D = user_table.shape[1]
    wb = jnp.concatenate([
        W.reshape(-1).astype(jnp.float32),
        b.reshape(-1).astype(jnp.float32),
        jnp.zeros((7,), jnp.float32),
    ])
    sc_call = _build_sc_call(B, D, user_table.shape[0], movie_table.shape[0])
    out = sc_call(users.astype(jnp.int32), movies.astype(jnp.int32),
                  user_table, movie_table, wb)
    return out.reshape(B, 1)

# --- scband reference (transcript-rebuilt; emitter-appended) ---
"""Pipeline reference for scband-rec-sys-model-64467459113197 (READ-ONLY COPY).

The authoritative reference and input builder live on the scoring server;
editing this copy changes nothing except your own understanding.
"""

import jax, jax.numpy as jnp
import numpy as np

N_USERS = 1000000
N_MOVIES = 100000
EMBED = 32
BATCH = 16384

def setup_inputs(seed: int = 0) -> dict:
    key = jax.random.key(seed)
    k1, k2, k3, k4, k5, k6 = jax.random.split(key, 6)
    users = jax.random.randint(k1, (BATCH,), 0, N_USERS, dtype=jnp.int64 if jax.config.jax_enable_x64 else jnp.int32)
    movies = jax.random.randint(k2, (BATCH,), 0, N_MOVIES, dtype=jnp.int64 if jax.config.jax_enable_x64 else jnp.int32)
    user_table = jax.random.normal(k3, (N_USERS, EMBED), dtype=jnp.float32)
    movie_table = jax.random.normal(k4, (N_MOVIES, EMBED), dtype=jnp.float32)
    W = jax.random.normal(k5, (64, 1), dtype=jnp.float32) * (1.0 / np.sqrt(64.0))
    b = jax.random.normal(k6, (1,), dtype=jnp.float32) * 0.01
    return {"users": users, "movies": movies, "user_table": user_table, "movie_table": movie_table, "W": W, "b": b}

def reference(users, movies, user_table, movie_table, W, b):
    user_embeds = jnp.take(user_table, users, axis=0)
    movie_embeds = jnp.take(movie_table, movies, axis=0)
    output = jnp.concatenate([user_embeds, movie_embeds], axis=1)
    output = output @ W + b
    return output

if __name__ == "__main__":
    import jax
    _d = setup_inputs()
    print(jax.jit(kernel)(*tuple(_d.values())))

</pallas_src>

<mosaic_0001>
#map = affine_map<(d0, d1) -> (0)>
#map1 = affine_map<(d0, d1) -> (0, 0)>
module attributes {stable_mosaic.version = 14 : i64} {
  func.func @sc_call(%arg0: i32, %arg1: i32, %arg2: memref<16384xi32, #tpu.memory_space<hbm>>, %arg3: memref<16384xi32, #tpu.memory_space<hbm>>, %arg4: memref<1000000x32xf32, #tpu.memory_space<hbm>>, %arg5: memref<100000x32xf32, #tpu.memory_space<hbm>>, %arg6: memref<72xf32, #tpu.memory_space<hbm>>, %arg7: memref<16384xf32, #tpu.memory_space<hbm>>, %arg8: memref<4x128xi32, #tpu.memory_space<vmem>>, %arg9: memref<4x128xi32, #tpu.memory_space<vmem>>, %arg10: memref<512x32xf32, #tpu.memory_space<vmem>>, %arg11: memref<512x32xf32, #tpu.memory_space<vmem>>, %arg12: memref<72xf32, #tpu.memory_space<vmem>>, %arg13: memref<512xf32, #tpu.memory_space<vmem>>, %arg14: memref<!tpu.dma_semaphore, #tpu.memory_space<semaphore_mem>>) attributes {dimension_semantics = [#tpu.dimension_semantics<core_parallel>, #tpu.dimension_semantics<subcore_parallel>], iteration_bounds = array<i64: 2, 16>, scalar_prefetch = 0 : i64, scratch_operands = 7 : i64, tpu.core_type = #tpu.core_type<sc_vector_subcore>, window_params = [{transform_indices = #map}, {transform_indices = #map}, {transform_indices = #map1}, {transform_indices = #map1}, {transform_indices = #map}, {transform_indices = #map}]} {
    %mul3A = arith.constant 2 : i32
    %mul3A_0 = arith.muli %arg1, %mul3A : i32
    %add3A = arith.addi %mul3A_0, %arg0 : i32
    %mul3A_1 = arith.constant 512 : i32
    %mul3A_2 = arith.muli %add3A, %mul3A_1 : i32
    "tpu.region"() ({
      %run_scoped3A_194 = tpu.sem_alloc : memref<!tpu.dma_semaphore, #tpu.memory_space<semaphore_mem>>
      tpu.enqueue_dma source(%arg6 : memref<72xf32, #tpu.memory_space<hbm>>) target(%arg12 : memref<72xf32, #tpu.memory_space<vmem>>) target_semaphore(%run_scoped3A_194 : memref<!tpu.dma_semaphore, #tpu.memory_space<semaphore_mem>>)
      tpu.wait_dma2 semaphore(%run_scoped3A_194 : memref<!tpu.dma_semaphore, #tpu.memory_space<semaphore_mem>>) src(%arg6 : memref<72xf32, #tpu.memory_space<hbm>>) dst(%arg12 : memref<72xf32, #tpu.memory_space<vmem>>)
      tpu.yield
    }) : () -> ()
    %add3A_3 = arith.constant 0 : i32
    %add3A_4 = arith.addi %mul3A_2, %add3A_3 : i32
    %run_scoped3A = arith.constant 0 : i32
    "tpu.region"() ({
      %run_scoped3A_194 = tpu.sem_alloc : memref<!tpu.dma_semaphore, #tpu.memory_space<semaphore_mem>>
      %dma_start3A_195 = arith.constant 0 : i32
      %dma_start3A_196 = tpu.memref_slice %arg8[%run_scoped3A, %dma_start3A_195] : memref<4x128xi32, #tpu.memory_space<vmem>> -> memref<1x128xi32, #tpu.memory_space<vmem>>
      %dma_start3A_197 = tpu.memref_squeeze %dma_start3A_196 : memref<1x128xi32, #tpu.memory_space<vmem>> -> memref<128xi32, #tpu.memory_space<vmem>>
      %dma_start3A_198 = tpu.memref_slice %arg2[%add3A_4] : memref<16384xi32, #tpu.memory_space<hbm>> -> memref<128xi32, #tpu.memory_space<hbm>>
      %dma_start3A_199 = arith.constant 0 : i32
      %dma_start3A_200 = tpu.memref_slice %arg8[%run_scoped3A, %dma_start3A_199] : memref<4x128xi32, #tpu.memory_space<vmem>> -> memref<1x128xi32, #tpu.memory_space<vmem>>
      %dma_start3A_201 = tpu.memref_squeeze %dma_start3A_200 : memref<1x128xi32, #tpu.memory_space<vmem>> -> memref<128xi32, #tpu.memory_space<vmem>>
      %dma_start3A_202 = tpu.memref_slice %arg2[%add3A_4] : memref<16384xi32, #tpu.memory_space<hbm>> -> memref<128xi32, #tpu.memory_space<hbm>>
      tpu.enqueue_dma source(%dma_start3A_202 : memref<128xi32, #tpu.memory_space<hbm>>) target(%dma_start3A_201 : memref<128xi32, #tpu.memory_space<vmem>>) target_semaphore(%run_scoped3A_194 : memref<!tpu.dma_semaphore, #tpu.memory_space<semaphore_mem>>)
      %dma_wait3A_203 = arith.constant 0 : i32
      %dma_wait3A_204 = tpu.memref_slice %arg8[%run_scoped3A, %dma_wait3A_203] : memref<4x128xi32, #tpu.memory_space<vmem>> -> memref<1x128xi32, #tpu.memory_space<vmem>>
      %dma_wait3A_205 = tpu.memref_squeeze %dma_wait3A_204 : memref<1x128xi32, #tpu.memory_space<vmem>> -> memref<128xi32, #tpu.memory_space<vmem>>
      %dma_wait3A_206 = tpu.memref_slice %arg2[%add3A_4] : memref<16384xi32, #tpu.memory_space<hbm>> -> memref<128xi32, #tpu.memory_space<hbm>>
      %dma_wait3A_207 = arith.constant 0 : i32
      %dma_wait3A_208 = tpu.memref_slice %arg8[%run_scoped3A, %dma_wait3A_207] : memref<4x128xi32, #tpu.memory_space<vmem>> -> memref<1x128xi32, #tpu.memory_space<vmem>>
      %dma_wait3A_209 = tpu.memref_squeeze %dma_wait3A_208 : memref<1x128xi32, #tpu.memory_space<vmem>> -> memref<128xi32, #tpu.memory_space<vmem>>
      %dma_wait3A_210 = tpu.memref_slice %arg2[%add3A_4] : memref<16384xi32, #tpu.memory_space<hbm>> -> memref<128xi32, #tpu.memory_space<hbm>>
      tpu.wait_dma2 semaphore(%run_scoped3A_194 : memref<!tpu.dma_semaphore, #tpu.memory_space<semaphore_mem>>) src(%dma_wait3A_210 : memref<128xi32, #tpu.memory_space<hbm>>) dst(%dma_wait3A_209 : memref<128xi32, #tpu.memory_space<vmem>>)
      tpu.yield
    }) : () -> ()
    %run_scoped3A_5 = arith.constant 0 : i32
    "tpu.region"() ({
      %run_scoped3A_194 = tpu.sem_alloc : memref<!tpu.dma_semaphore, #tpu.memory_space<semaphore_mem>>
      %dma_start3A_195 = arith.constant 0 : i32
      %dma_start3A_196 = tpu.memref_slice %arg9[%run_scoped3A_5, %dma_start3A_195] : memref<4x128xi32, #tpu.memory_space<vmem>> -> memref<1x128xi32, #tpu.memory_space<vmem>>
      %dma_start3A_197 = tpu.memref_squeeze %dma_start3A_196 : memref<1x128xi32, #tpu.memory_space<vmem>> -> memref<128xi32, #tpu.memory_space<vmem>>
      %dma_start3A_198 = tpu.memref_slice %arg3[%add3A_4] : memref<16384xi32, #tpu.memory_space<hbm>> -> memref<128xi32, #tpu.memory_space<hbm>>
      %dma_start3A_199 = arith.constant 0 : i32
      %dma_start3A_200 = tpu.memref_slice %arg9[%run_scoped3A_5, %dma_start3A_199] : memref<4x128xi32, #tpu.memory_space<vmem>> -> memref<1x128xi32, #tpu.memory_space<vmem>>
      %dma_start3A_201 = tpu.memref_squeeze %dma_start3A_200 : memref<1x128xi32, #tpu.memory_space<vmem>> -> memref<128xi32, #tpu.memory_space<vmem>>
      %dma_start3A_202 = tpu.memref_slice %arg3[%add3A_4] : memref<16384xi32, #tpu.memory_space<hbm>> -> memref<128xi32, #tpu.memory_space<hbm>>
      tpu.enqueue_dma source(%dma_start3A_202 : memref<128xi32, #tpu.memory_space<hbm>>) target(%dma_start3A_201 : memref<128xi32, #tpu.memory_space<vmem>>) target_semaphore(%run_scoped3A_194 : memref<!tpu.dma_semaphore, #tpu.memory_space<semaphore_mem>>)
      %dma_wait3A_203 = arith.constant 0 : i32
      %dma_wait3A_204 = tpu.memref_slice %arg9[%run_scoped3A_5, %dma_wait3A_203] : memref<4x128xi32, #tpu.memory_space<vmem>> -> memref<1x128xi32, #tpu.memory_space<vmem>>
      %dma_wait3A_205 = tpu.memref_squeeze %dma_wait3A_204 : memref<1x128xi32, #tpu.memory_space<vmem>> -> memref<128xi32, #tpu.memory_space<vmem>>
      %dma_wait3A_206 = tpu.memref_slice %arg3[%add3A_4] : memref<16384xi32, #tpu.memory_space<hbm>> -> memref<128xi32, #tpu.memory_space<hbm>>
      %dma_wait3A_207 = arith.constant 0 : i32
      %dma_wait3A_208 = tpu.memref_slice %arg9[%run_scoped3A_5, %dma_wait3A_207] : memref<4x128xi32, #tpu.memory_space<vmem>> -> memref<1x128xi32, #tpu.memory_space<vmem>>
      %dma_wait3A_209 = tpu.memref_squeeze %dma_wait3A_208 : memref<1x128xi32, #tpu.memory_space<vmem>> -> memref<128xi32, #tpu.memory_space<vmem>>
      %dma_wait3A_210 = tpu.memref_slice %arg3[%add3A_4] : memref<16384xi32, #tpu.memory_space<hbm>> -> memref<128xi32, #tpu.memory_space<hbm>>
      tpu.wait_dma2 semaphore(%run_scoped3A_194 : memref<!tpu.dma_semaphore, #tpu.memory_space<semaphore_mem>>) src(%dma_wait3A_210 : memref<128xi32, #tpu.memory_space<hbm>>) dst(%dma_wait3A_209 : memref<128xi32, #tpu.memory_space<vmem>>)
      tpu.yield
    }) : () -> ()
    %add3A_6 = arith.constant 128 : i32
    %add3A_7 = arith.addi %mul3A_2, %add3A_6 : i32
    %run_scoped3A_8 = arith.constant 1 : i32
    "tpu.region"() ({
      %run_scoped3A_194 = tpu.sem_alloc : memref<!tpu.dma_semaphore, #tpu.memory_space<semaphore_mem>>
      %dma_start3A_195 = arith.constant 0 : i32
      %dma_start3A_196 = tpu.memref_slice %arg8[%run_scoped3A_8, %dma_start3A_195] : memref<4x128xi32, #tpu.memory_space<vmem>> -> memref<1x128xi32, #tpu.memory_space<vmem>>
      %dma_start3A_197 = tpu.memref_squeeze %dma_start3A_196 : memref<1x128xi32, #tpu.memory_space<vmem>> -> memref<128xi32, #tpu.memory_space<vmem>>
      %dma_start3A_198 = tpu.memref_slice %arg2[%add3A_7] : memref<16384xi32, #tpu.memory_space<hbm>> -> memref<128xi32, #tpu.memory_space<hbm>>
      %dma_start3A_199 = arith.constant 0 : i32
      %dma_start3A_200 = tpu.memref_slice %arg8[%run_scoped3A_8, %dma_start3A_199] : memref<4x128xi32, #tpu.memory_space<vmem>> -> memref<1x128xi32, #tpu.memory_space<vmem>>
      %dma_start3A_201 = tpu.memref_squeeze %dma_start3A_200 : memref<1x128xi32, #tpu.memory_space<vmem>> -> memref<128xi32, #tpu.memory_space<vmem>>
      %dma_start3A_202 = tpu.memref_slice %arg2[%add3A_7] : memref<16384xi32, #tpu.memory_space<hbm>> -> memref<128xi32, #tpu.memory_space<hbm>>
      tpu.enqueue_dma source(%dma_start3A_202 : memref<128xi32, #tpu.memory_space<hbm>>) target(%dma_start3A_201 : memref<128xi32, #tpu.memory_space<vmem>>) target_semaphore(%run_scoped3A_194 : memref<!tpu.dma_semaphore, #tpu.memory_space<semaphore_mem>>)
      %dma_wait3A_203 = arith.constant 0 : i32
      %dma_wait3A_204 = tpu.memref_slice %arg8[%run_scoped3A_8, %dma_wait3A_203] : memref<4x128xi32, #tpu.memory_space<vmem>> -> memref<1x128xi32, #tpu.memory_space<vmem>>
      %dma_wait3A_205 = tpu.memref_squeeze %dma_wait3A_204 : memref<1x128xi32, #tpu.memory_space<vmem>> -> memref<128xi32, #tpu.memory_space<vmem>>
      %dma_wait3A_206 = tpu.memref_slice %arg2[%add3A_7] : memref<16384xi32, #tpu.memory_space<hbm>> -> memref<128xi32, #tpu.memory_space<hbm>>
      %dma_wait3A_207 = arith.constant 0 : i32
      %dma_wait3A_208 = tpu.memref_slice %arg8[%run_scoped3A_8, %dma_wait3A_207] : memref<4x128xi32, #tpu.memory_space<vmem>> -> memref<1x128xi32, #tpu.memory_space<vmem>>
      %dma_wait3A_209 = tpu.memref_squeeze %dma_wait3A_208 : memref<1x128xi32, #tpu.memory_space<vmem>> -> memref<128xi32, #tpu.memory_space<vmem>>
      %dma_wait3A_210 = tpu.memref_slice %arg2[%add3A_7] : memref<16384xi32, #tpu.memory_space<hbm>> -> memref<128xi32, #tpu.memory_space<hbm>>
      tpu.wait_dma2 semaphore(%run_scoped3A_194 : memref<!tpu.dma_semaphore, #tpu.memory_space<semaphore_mem>>) src(%dma_wait3A_210 : memref<128xi32, #tpu.memory_space<hbm>>) dst(%dma_wait3A_209 : memref<128xi32, #tpu.memory_space<vmem>>)
      tpu.yield
    }) : () -> ()
    %run_scoped3A_9 = arith.constant 1 : i32
    "tpu.region"() ({
      %run_scoped3A_194 = tpu.sem_alloc : memref<!tpu.dma_semaphore, #tpu.memory_space<semaphore_mem>>
      %dma_start3A_195 = arith.constant 0 : i32
      %dma_start3A_196 = tpu.memref_slice %arg9[%run_scoped3A_9, %dma_start3A_195] : memref<4x128xi32, #tpu.memory_space<vmem>> -> memref<1x128xi32, #tpu.memory_space<vmem>>
      %dma_start3A_197 = tpu.memref_squeeze %dma_start3A_196 : memref<1x128xi32, #tpu.memory_space<vmem>> -> memref<128xi32, #tpu.memory_space<vmem>>
      %dma_start3A_198 = tpu.memref_slice %arg3[%add3A_7] : memref<16384xi32, #tpu.memory_space<hbm>> -> memref<128xi32, #tpu.memory_space<hbm>>
      %dma_start3A_199 = arith.constant 0 : i32
      %dma_start3A_200 = tpu.memref_slice %arg9[%run_scoped3A_9, %dma_start3A_199] : memref<4x128xi32, #tpu.memory_space<vmem>> -> memref<1x128xi32, #tpu.memory_space<vmem>>
      %dma_start3A_201 = tpu.memref_squeeze %dma_start3A_200 : memref<1x128xi32, #tpu.memory_space<vmem>> -> memref<128xi32, #tpu.memory_space<vmem>>
      %dma_start3A_202 = tpu.memref_slice %arg3[%add3A_7] : memref<16384xi32, #tpu.memory_space<hbm>> -> memref<128xi32, #tpu.memory_space<hbm>>
      tpu.enqueue_dma source(%dma_start3A_202 : memref<128xi32, #tpu.memory_space<hbm>>) target(%dma_start3A_201 : memref<128xi32, #tpu.memory_space<vmem>>) target_semaphore(%run_scoped3A_194 : memref<!tpu.dma_semaphore, #tpu.memory_space<semaphore_mem>>)
      %dma_wait3A_203 = arith.constant 0 : i32
      %dma_wait3A_204 = tpu.memref_slice %arg9[%run_scoped3A_9, %dma_wait3A_203] : memref<4x128xi32, #tpu.memory_space<vmem>> -> memref<1x128xi32, #tpu.memory_space<vmem>>
      %dma_wait3A_205 = tpu.memref_squeeze %dma_wait3A_204 : memref<1x128xi32, #tpu.memory_space<vmem>> -> memref<128xi32, #tpu.memory_space<vmem>>
      %dma_wait3A_206 = tpu.memref_slice %arg3[%add3A_7] : memref<16384xi32, #tpu.memory_space<hbm>> -> memref<128xi32, #tpu.memory_space<hbm>>
      %dma_wait3A_207 = arith.constant 0 : i32
      %dma_wait3A_208 = tpu.memref_slice %arg9[%run_scoped3A_9, %dma_wait3A_207] : memref<4x128xi32, #tpu.memory_space<vmem>> -> memref<1x128xi32, #tpu.memory_space<vmem>>
      %dma_wait3A_209 = tpu.memref_squeeze %dma_wait3A_208 : memref<1x128xi32, #tpu.memory_space<vmem>> -> memref<128xi32, #tpu.memory_space<vmem>>
      %dma_wait3A_210 = tpu.memref_slice %arg3[%add3A_7] : memref<16384xi32, #tpu.memory_space<hbm>> -> memref<128xi32, #tpu.memory_space<hbm>>
      tpu.wait_dma2 semaphore(%run_scoped3A_194 : memref<!tpu.dma_semaphore, #tpu.memory_space<semaphore_mem>>) src(%dma_wait3A_210 : memref<128xi32, #tpu.memory_space<hbm>>) dst(%dma_wait3A_209 : memref<128xi32, #tpu.memory_space<vmem>>)
      tpu.yield
    }) : () -> ()
    %add3A_10 = arith.constant 256 : i32
    %add3A_11 = arith.addi %mul3A_2, %add3A_10 : i32
    %run_scoped3A_12 = arith.constant 2 : i32
    "tpu.region"() ({
      %run_scoped3A_194 = tpu.sem_alloc : memref<!tpu.dma_semaphore, #tpu.memory_space<semaphore_mem>>
      %dma_start3A_195 = arith.constant 0 : i32
      %dma_start3A_196 = tpu.memref_slice %arg8[%run_scoped3A_12, %dma_start3A_195] : memref<4x128xi32, #tpu.memory_space<vmem>> -> memref<1x128xi32, #tpu.memory_space<vmem>>
      %dma_start3A_197 = tpu.memref_squeeze %dma_start3A_196 : memref<1x128xi32, #tpu.memory_space<vmem>> -> memref<128xi32, #tpu.memory_space<vmem>>
      %dma_start3A_198 = tpu.memref_slice %arg2[%add3A_11] : memref<16384xi32, #tpu.memory_space<hbm>> -> memref<128xi32, #tpu.memory_space<hbm>>
      %dma_start3A_199 = arith.constant 0 : i32
      %dma_start3A_200 = tpu.memref_slice %arg8[%run_scoped3A_12, %dma_start3A_199] : memref<4x128xi32, #tpu.memory_space<vmem>> -> memref<1x128xi32, #tpu.memory_space<vmem>>
      %dma_start3A_201 = tpu.memref_squeeze %dma_start3A_200 : memref<1x128xi32, #tpu.memory_space<vmem>> -> memref<128xi32, #tpu.memory_space<vmem>>
      %dma_start3A_202 = tpu.memref_slice %arg2[%add3A_11] : memref<16384xi32, #tpu.memory_space<hbm>> -> memref<128xi32, #tpu.memory_space<hbm>>
      tpu.enqueue_dma source(%dma_start3A_202 : memref<128xi32, #tpu.memory_space<hbm>>) target(%dma_start3A_201 : memref<128xi32, #tpu.memory_space<vmem>>) target_semaphore(%run_scoped3A_194 : memref<!tpu.dma_semaphore, #tpu.memory_space<semaphore_mem>>)
      %dma_wait3A_203 = arith.constant 0 : i32
      %dma_wait3A_204 = tpu.memref_slice %arg8[%run_scoped3A_12, %dma_wait3A_203] : memref<4x128xi32, #tpu.memory_space<vmem>> -> memref<1x128xi32, #tpu.memory_space<vmem>>
      %dma_wait3A_205 = tpu.memref_squeeze %dma_wait3A_204 : memref<1x128xi32, #tpu.memory_space<vmem>> -> memref<128xi32, #tpu.memory_space<vmem>>
      %dma_wait3A_206 = tpu.memref_slice %arg2[%add3A_11] : memref<16384xi32, #tpu.memory_space<hbm>> -> memref<128xi32, #tpu.memory_space<hbm>>
      %dma_wait3A_207 = arith.constant 0 : i32
      %dma_wait3A_208 = tpu.memref_slice %arg8[%run_scoped3A_12, %dma_wait3A_207] : memref<4x128xi32, #tpu.memory_space<vmem>> -> memref<1x128xi32, #tpu.memory_space<vmem>>
      %dma_wait3A_209 = tpu.memref_squeeze %dma_wait3A_208 : memref<1x128xi32, #tpu.memory_space<vmem>> -> memref<128xi32, #tpu.memory_space<vmem>>
      %dma_wait3A_210 = tpu.memref_slice %arg2[%add3A_11] : memref<16384xi32, #tpu.memory_space<hbm>> -> memref<128xi32, #tpu.memory_space<hbm>>
      tpu.wait_dma2 semaphore(%run_scoped3A_194 : memref<!tpu.dma_semaphore, #tpu.memory_space<semaphore_mem>>) src(%dma_wait3A_210 : memref<128xi32, #tpu.memory_space<hbm>>) dst(%dma_wait3A_209 : memref<128xi32, #tpu.memory_space<vmem>>)
      tpu.yield
    }) : () -> ()
    %run_scoped3A_13 = arith.constant 2 : i32
    "tpu.region"() ({
      %run_scoped3A_194 = tpu.sem_alloc : memref<!tpu.dma_semaphore, #tpu.memory_space<semaphore_mem>>
      %dma_start3A_195 = arith.constant 0 : i32
      %dma_start3A_196 = tpu.memref_slice %arg9[%run_scoped3A_13, %dma_start3A_195] : memref<4x128xi32, #tpu.memory_space<vmem>> -> memref<1x128xi32, #tpu.memory_space<vmem>>
      %dma_start3A_197 = tpu.memref_squeeze %dma_start3A_196 : memref<1x128xi32, #tpu.memory_space<vmem>> -> memref<128xi32, #tpu.memory_space<vmem>>
      %dma_start3A_198 = tpu.memref_slice %arg3[%add3A_11] : memref<16384xi32, #tpu.memory_space<hbm>> -> memref<128xi32, #tpu.memory_space<hbm>>
      %dma_start3A_199 = arith.constant 0 : i32
      %dma_start3A_200 = tpu.memref_slice %arg9[%run_scoped3A_13, %dma_start3A_199] : memref<4x128xi32, #tpu.memory_space<vmem>> -> memref<1x128xi32, #tpu.memory_space<vmem>>
      %dma_start3A_201 = tpu.memref_squeeze %dma_start3A_200 : memref<1x128xi32, #tpu.memory_space<vmem>> -> memref<128xi32, #tpu.memory_space<vmem>>
      %dma_start3A_202 = tpu.memref_slice %arg3[%add3A_11] : memref<16384xi32, #tpu.memory_space<hbm>> -> memref<128xi32, #tpu.memory_space<hbm>>
      tpu.enqueue_dma source(%dma_start3A_202 : memref<128xi32, #tpu.memory_space<hbm>>) target(%dma_start3A_201 : memref<128xi32, #tpu.memory_space<vmem>>) target_semaphore(%run_scoped3A_194 : memref<!tpu.dma_semaphore, #tpu.memory_space<semaphore_mem>>)
      %dma_wait3A_203 = arith.constant 0 : i32
      %dma_wait3A_204 = tpu.memref_slice %arg9[%run_scoped3A_13, %dma_wait3A_203] : memref<4x128xi32, #tpu.memory_space<vmem>> -> memref<1x128xi32, #tpu.memory_space<vmem>>
      %dma_wait3A_205 = tpu.memref_squeeze %dma_wait3A_204 : memref<1x128xi32, #tpu.memory_space<vmem>> -> memref<128xi32, #tpu.memory_space<vmem>>
      %dma_wait3A_206 = tpu.memref_slice %arg3[%add3A_11] : memref<16384xi32, #tpu.memory_space<hbm>> -> memref<128xi32, #tpu.memory_space<hbm>>
      %dma_wait3A_207 = arith.constant 0 : i32
      %dma_wait3A_208 = tpu.memref_slice %arg9[%run_scoped3A_13, %dma_wait3A_207] : memref<4x128xi32, #tpu.memory_space<vmem>> -> memref<1x128xi32, #tpu.memory_space<vmem>>
      %dma_wait3A_209 = tpu.memref_squeeze %dma_wait3A_208 : memref<1x128xi32, #tpu.memory_space<vmem>> -> memref<128xi32, #tpu.memory_space<vmem>>
      %dma_wait3A_210 = tpu.memref_slice %arg3[%add3A_11] : memref<16384xi32, #tpu.memory_space<hbm>> -> memref<128xi32, #tpu.memory_space<hbm>>
      tpu.wait_dma2 semaphore(%run_scoped3A_194 : memref<!tpu.dma_semaphore, #tpu.memory_space<semaphore_mem>>) src(%dma_wait3A_210 : memref<128xi32, #tpu.memory_space<hbm>>) dst(%dma_wait3A_209 : memref<128xi32, #tpu.memory_space<vmem>>)
      tpu.yield
    }) : () -> ()
    %add3A_14 = arith.constant 384 : i32
    %add3A_15 = arith.addi %mul3A_2, %add3A_14 : i32
    %run_scoped3A_16 = arith.constant 3 : i32
    "tpu.region"() ({
      %run_scoped3A_194 = tpu.sem_alloc : memref<!tpu.dma_semaphore, #tpu.memory_space<semaphore_mem>>
      %dma_start3A_195 = arith.constant 0 : i32
      %dma_start3A_196 = tpu.memref_slice %arg8[%run_scoped3A_16, %dma_start3A_195] : memref<4x128xi32, #tpu.memory_space<vmem>> -> memref<1x128xi32, #tpu.memory_space<vmem>>
      %dma_start3A_197 = tpu.memref_squeeze %dma_start3A_196 : memref<1x128xi32, #tpu.memory_space<vmem>> -> memref<128xi32, #tpu.memory_space<vmem>>
      %dma_start3A_198 = tpu.memref_slice %arg2[%add3A_15] : memref<16384xi32, #tpu.memory_space<hbm>> -> memref<128xi32, #tpu.memory_space<hbm>>
      %dma_start3A_199 = arith.constant 0 : i32
      %dma_start3A_200 = tpu.memref_slice %arg8[%run_scoped3A_16, %dma_start3A_199] : memref<4x128xi32, #tpu.memory_space<vmem>> -> memref<1x128xi32, #tpu.memory_space<vmem>>
      %dma_start3A_201 = tpu.memref_squeeze %dma_start3A_200 : memref<1x128xi32, #tpu.memory_space<vmem>> -> memref<128xi32, #tpu.memory_space<vmem>>
      %dma_start3A_202 = tpu.memref_slice %arg2[%add3A_15] : memref<16384xi32, #tpu.memory_space<hbm>> -> memref<128xi32, #tpu.memory_space<hbm>>
      tpu.enqueue_dma source(%dma_start3A_202 : memref<128xi32, #tpu.memory_space<hbm>>) target(%dma_start3A_201 : memref<128xi32, #tpu.memory_space<vmem>>) target_semaphore(%run_scoped3A_194 : memref<!tpu.dma_semaphore, #tpu.memory_space<semaphore_mem>>)
      %dma_wait3A_203 = arith.constant 0 : i32
      %dma_wait3A_204 = tpu.memref_slice %arg8[%run_scoped3A_16, %dma_wait3A_203] : memref<4x128xi32, #tpu.memory_space<vmem>> -> memref<1x128xi32, #tpu.memory_space<vmem>>
      %dma_wait3A_205 = tpu.memref_squeeze %dma_wait3A_204 : memref<1x128xi32, #tpu.memory_space<vmem>> -> memref<128xi32, #tpu.memory_space<vmem>>
      %dma_wait3A_206 = tpu.memref_slice %arg2[%add3A_15] : memref<16384xi32, #tpu.memory_space<hbm>> -> memref<128xi32, #tpu.memory_space<hbm>>
      %dma_wait3A_207 = arith.constant 0 : i32
      %dma_wait3A_208 = tpu.memref_slice %arg8[%run_scoped3A_16, %dma_wait3A_207] : memref<4x128xi32, #tpu.memory_space<vmem>> -> memref<1x128xi32, #tpu.memory_space<vmem>>
      %dma_wait3A_209 = tpu.memref_squeeze %dma_wait3A_208 : memref<1x128xi32, #tpu.memory_space<vmem>> -> memref<128xi32, #tpu.memory_space<vmem>>
      %dma_wait3A_210 = tpu.memref_slice %arg2[%add3A_15] : memref<16384xi32, #tpu.memory_space<hbm>> -> memref<128xi32, #tpu.memory_space<hbm>>
      tpu.wait_dma2 semaphore(%run_scoped3A_194 : memref<!tpu.dma_semaphore, #tpu.memory_space<semaphore_mem>>) src(%dma_wait3A_210 : memref<128xi32, #tpu.memory_space<hbm>>) dst(%dma_wait3A_209 : memref<128xi32, #tpu.memory_space<vmem>>)
      tpu.yield
    }) : () -> ()
    %run_scoped3A_17 = arith.constant 3 : i32
    "tpu.region"() ({
      %run_scoped3A_194 = tpu.sem_alloc : memref<!tpu.dma_semaphore, #tpu.memory_space<semaphore_mem>>
      %dma_start3A_195 = arith.constant 0 : i32
      %dma_start3A_196 = tpu.memref_slice %arg9[%run_scoped3A_17, %dma_start3A_195] : memref<4x128xi32, #tpu.memory_space<vmem>> -> memref<1x128xi32, #tpu.memory_space<vmem>>
      %dma_start3A_197 = tpu.memref_squeeze %dma_start3A_196 : memref<1x128xi32, #tpu.memory_space<vmem>> -> memref<128xi32, #tpu.memory_space<vmem>>
      %dma_start3A_198 = tpu.memref_slice %arg3[%add3A_15] : memref<16384xi32, #tpu.memory_space<hbm>> -> memref<128xi32, #tpu.memory_space<hbm>>
      %dma_start3A_199 = arith.constant 0 : i32
      %dma_start3A_200 = tpu.memref_slice %arg9[%run_scoped3A_17, %dma_start3A_199] : memref<4x128xi32, #tpu.memory_space<vmem>> -> memref<1x128xi32, #tpu.memory_space<vmem>>
      %dma_start3A_201 = tpu.memref_squeeze %dma_start3A_200 : memref<1x128xi32, #tpu.memory_space<vmem>> -> memref<128xi32, #tpu.memory_space<vmem>>
      %dma_start3A_202 = tpu.memref_slice %arg3[%add3A_15] : memref<16384xi32, #tpu.memory_space<hbm>> -> memref<128xi32, #tpu.memory_space<hbm>>
      tpu.enqueue_dma source(%dma_start3A_202 : memref<128xi32, #tpu.memory_space<hbm>>) target(%dma_start3A_201 : memref<128xi32, #tpu.memory_space<vmem>>) target_semaphore(%run_scoped3A_194 : memref<!tpu.dma_semaphore, #tpu.memory_space<semaphore_mem>>)
      %dma_wait3A_203 = arith.constant 0 : i32
      %dma_wait3A_204 = tpu.memref_slice %arg9[%run_scoped3A_17, %dma_wait3A_203] : memref<4x128xi32, #tpu.memory_space<vmem>> -> memref<1x128xi32, #tpu.memory_space<vmem>>
      %dma_wait3A_205 = tpu.memref_squeeze %dma_wait3A_204 : memref<1x128xi32, #tpu.memory_space<vmem>> -> memref<128xi32, #tpu.memory_space<vmem>>
      %dma_wait3A_206 = tpu.memref_slice %arg3[%add3A_15] : memref<16384xi32, #tpu.memory_space<hbm>> -> memref<128xi32, #tpu.memory_space<hbm>>
      %dma_wait3A_207 = arith.constant 0 : i32
      %dma_wait3A_208 = tpu.memref_slice %arg9[%run_scoped3A_17, %dma_wait3A_207] : memref<4x128xi32, #tpu.memory_space<vmem>> -> memref<1x128xi32, #tpu.memory_space<vmem>>
      %dma_wait3A_209 = tpu.memref_squeeze %dma_wait3A_208 : memref<1x128xi32, #tpu.memory_space<vmem>> -> memref<128xi32, #tpu.memory_space<vmem>>
      %dma_wait3A_210 = tpu.memref_slice %arg3[%add3A_15] : memref<16384xi32, #tpu.memory_space<hbm>> -> memref<128xi32, #tpu.memory_space<hbm>>
      tpu.wait_dma2 semaphore(%run_scoped3A_194 : memref<!tpu.dma_semaphore, #tpu.memory_space<semaphore_mem>>) src(%dma_wait3A_210 : memref<128xi32, #tpu.memory_space<hbm>>) dst(%dma_wait3A_209 : memref<128xi32, #tpu.memory_space<vmem>>)
      tpu.yield
    }) : () -> ()
    %dma_start3A = arith.constant 0 : i32
    %dma_start3A_18 = arith.constant 0 : i32
    %dma_start3A_19 = arith.constant 0 : i32
    %dma_start3A_20 = tpu.memref_slice %arg10[%dma_start3A_18, %dma_start3A_19] : memref<512x32xf32, #tpu.memory_space<vmem>> -> memref<128x32xf32, #tpu.memory_space<vmem>>
    %dma_start3A_21 = arith.constant 0 : i32
    %dma_start3A_22 = tpu.memref_slice %arg8[%dma_start3A, %dma_start3A_21] : memref<4x128xi32, #tpu.memory_space<vmem>> -> memref<1x128xi32, #tpu.memory_space<vmem>>
    %dma_start3A_23 = tpu.memref_squeeze %dma_start3A_22 : memref<1x128xi32, #tpu.memory_space<vmem>> -> memref<128xi32, #tpu.memory_space<vmem>>
    %dma_start3A_24 = arith.constant 0 : i32
    %dma_start3A_25 = arith.constant 0 : i32
    %dma_start3A_26 = tpu.memref_slice %arg4[%dma_start3A_24, %dma_start3A_25] : memref<1000000x32xf32, #tpu.memory_space<hbm>> -> memref<1000000x32xf32, #tpu.memory_space<hbm>>
    tpu.enqueue_indirect_dma source(%dma_start3A_26 : memref<1000000x32xf32, #tpu.memory_space<hbm>>) target(%dma_start3A_20 : memref<128x32xf32, #tpu.memory_space<vmem>>) offsets(%dma_start3A_23 : memref<128xi32, #tpu.memory_space<vmem>>) semaphore(%arg14 : memref<!tpu.dma_semaphore, #tpu.memory_space<semaphore_mem>>)
    %dma_start3A_27 = arith.constant 0 : i32
    %dma_start3A_28 = arith.constant 0 : i32
    %dma_start3A_29 = arith.constant 0 : i32
    %dma_start3A_30 = tpu.memref_slice %arg11[%dma_start3A_28, %dma_start3A_29] : memref<512x32xf32, #tpu.memory_space<vmem>> -> memref<128x32xf32, #tpu.memory_space<vmem>>
    %dma_start3A_31 = arith.constant 0 : i32
    %dma_start3A_32 = tpu.memref_slice %arg9[%dma_start3A_27, %dma_start3A_31] : memref<4x128xi32, #tpu.memory_space<vmem>> -> memref<1x128xi32, #tpu.memory_space<vmem>>
    %dma_start3A_33 = tpu.memref_squeeze %dma_start3A_32 : memref<1x128xi32, #tpu.memory_space<vmem>> -> memref<128xi32, #tpu.memory_space<vmem>>
    %dma_start3A_34 = arith.constant 0 : i32
    %dma_start3A_35 = arith.constant 0 : i32
    %dma_start3A_36 = tpu.memref_slice %arg5[%dma_start3A_34, %dma_start3A_35] : memref<100000x32xf32, #tpu.memory_space<hbm>> -> memref<100000x32xf32, #tpu.memory_space<hbm>>
    tpu.enqueue_indirect_dma source(%dma_start3A_36 : memref<100000x32xf32, #tpu.memory_space<hbm>>) target(%dma_start3A_30 : memref<128x32xf32, #tpu.memory_space<vmem>>) offsets(%dma_start3A_33 : memref<128xi32, #tpu.memory_space<vmem>>) semaphore(%arg14 : memref<!tpu.dma_semaphore, #tpu.memory_space<semaphore_mem>>)
    %dma_start3A_37 = arith.constant 1 : i32
    %dma_start3A_38 = arith.constant 128 : i32
    %dma_start3A_39 = arith.constant 0 : i32
    %dma_start3A_40 = tpu.memref_slice %arg10[%dma_start3A_38, %dma_start3A_39] : memref<512x32xf32, #tpu.memory_space<vmem>> -> memref<128x32xf32, #tpu.memory_space<vmem>>
    %dma_start3A_41 = arith.constant 0 : i32
    %dma_start3A_42 = tpu.memref_slice %arg8[%dma_start3A_37, %dma_start3A_41] : memref<4x128xi32, #tpu.memory_space<vmem>> -> memref<1x128xi32, #tpu.memory_space<vmem>>
    %dma_start3A_43 = tpu.memref_squeeze %dma_start3A_42 : memref<1x128xi32, #tpu.memory_space<vmem>> -> memref<128xi32, #tpu.memory_space<vmem>>
    %dma_start3A_44 = arith.constant 0 : i32
    %dma_start3A_45 = arith.constant 0 : i32
    %dma_start3A_46 = tpu.memref_slice %arg4[%dma_start3A_44, %dma_start3A_45] : memref<1000000x32xf32, #tpu.memory_space<hbm>> -> memref<1000000x32xf32, #tpu.memory_space<hbm>>
    tpu.enqueue_indirect_dma source(%dma_start3A_46 : memref<1000000x32xf32, #tpu.memory_space<hbm>>) target(%dma_start3A_40 : memref<128x32xf32, #tpu.memory_space<vmem>>) offsets(%dma_start3A_43 : memref<128xi32, #tpu.memory_space<vmem>>) semaphore(%arg14 : memref<!tpu.dma_semaphore, #tpu.memory_space<semaphore_mem>>)
    %dma_start3A_47 = arith.constant 1 : i32
    %dma_start3A_48 = arith.constant 128 : i32
    %dma_start3A_49 = arith.constant 0 : i32
    %dma_start3A_50 = tpu.memref_slice %arg11[%dma_start3A_48, %dma_start3A_49] : memref<512x32xf32, #tpu.memory_space<vmem>> -> memref<128x32xf32, #tpu.memory_space<vmem>>
    %dma_start3A_51 = arith.constant 0 : i32
    %dma_start3A_52 = tpu.memref_slice %arg9[%dma_start3A_47, %dma_start3A_51] : memref<4x128xi32, #tpu.memory_space<vmem>> -> memref<1x128xi32, #tpu.memory_space<vmem>>
    %dma_start3A_53 = tpu.memref_squeeze %dma_start3A_52 : memref<1x128xi32, #tpu.memory_space<vmem>> -> memref<128xi32, #tpu.memory_space<vmem>>
    %dma_start3A_54 = arith.constant 0 : i32
    %dma_start3A_55 = arith.constant 0 : i32
    %dma_start3A_56 = tpu.memref_slice %arg5[%dma_start3A_54, %dma_start3A_55] : memref<100000x32xf32, #tpu.memory_space<hbm>> -> memref<100000x32xf32, #tpu.memory_space<hbm>>
    tpu.enqueue_indirect_dma source(%dma_start3A_56 : memref<100000x32xf32, #tpu.memory_space<hbm>>) target(%dma_start3A_50 : memref<128x32xf32, #tpu.memory_space<vmem>>) offsets(%dma_start3A_53 : memref<128xi32, #tpu.memory_space<vmem>>) semaphore(%arg14 : memref<!tpu.dma_semaphore, #tpu.memory_space<semaphore_mem>>)
    %dma_start3A_57 = arith.constant 2 : i32
    %dma_start3A_58 = arith.constant 256 : i32
    %dma_start3A_59 = arith.constant 0 : i32
    %dma_start3A_60 = tpu.memref_slice %arg10[%dma_start3A_58, %dma_start3A_59] : memref<512x32xf32, #tpu.memory_space<vmem>> -> memref<128x32xf32, #tpu.memory_space<vmem>>
    %dma_start3A_61 = arith.constant 0 : i32
    %dma_start3A_62 = tpu.memref_slice %arg8[%dma_start3A_57, %dma_start3A_61] : memref<4x128xi32, #tpu.memory_space<vmem>> -> memref<1x128xi32, #tpu.memory_space<vmem>>
    %dma_start3A_63 = tpu.memref_squeeze %dma_start3A_62 : memref<1x128xi32, #tpu.memory_space<vmem>> -> memref<128xi32, #tpu.memory_space<vmem>>
    %dma_start3A_64 = arith.constant 0 : i32
    %dma_start3A_65 = arith.constant 0 : i32
    %dma_start3A_66 = tpu.memref_slice %arg4[%dma_start3A_64, %dma_start3A_65] : memref<1000000x32xf32, #tpu.memory_space<hbm>> -> memref<1000000x32xf32, #tpu.memory_space<hbm>>
    tpu.enqueue_indirect_dma source(%dma_start3A_66 : memref<1000000x32xf32, #tpu.memory_space<hbm>>) target(%dma_start3A_60 : memref<128x32xf32, #tpu.memory_space<vmem>>) offsets(%dma_start3A_63 : memref<128xi32, #tpu.memory_space<vmem>>) semaphore(%arg14 : memref<!tpu.dma_semaphore, #tpu.memory_space<semaphore_mem>>)
    %dma_start3A_67 = arith.constant 2 : i32
    %dma_start3A_68 = arith.constant 256 : i32
    %dma_start3A_69 = arith.constant 0 : i32
    %dma_start3A_70 = tpu.memref_slice %arg11[%dma_start3A_68, %dma_start3A_69] : memref<512x32xf32, #tpu.memory_space<vmem>> -> memref<128x32xf32, #tpu.memory_space<vmem>>
    %dma_start3A_71 = arith.constant 0 : i32
    %dma_start3A_72 = tpu.memref_slice %arg9[%dma_start3A_67, %dma_start3A_71] : memref<4x128xi32, #tpu.memory_space<vmem>> -> memref<1x128xi32, #tpu.memory_space<vmem>>
    %dma_start3A_73 = tpu.memref_squeeze %dma_start3A_72 : memref<1x128xi32, #tpu.memory_space<vmem>> -> memref<128xi32, #tpu.memory_space<vmem>>
    %dma_start3A_74 = arith.constant 0 : i32
    %dma_start3A_75 = arith.constant 0 : i32
    %dma_start3A_76 = tpu.memref_slice %arg5[%dma_start3A_74, %dma_start3A_75] : memref<100000x32xf32, #tpu.memory_space<hbm>> -> memref<100000x32xf32, #tpu.memory_space<hbm>>
    tpu.enqueue_indirect_dma source(%dma_start3A_76 : memref<100000x32xf32, #tpu.memory_space<hbm>>) target(%dma_start3A_70 : memref<128x32xf32, #tpu.memory_space<vmem>>) offsets(%dma_start3A_73 : memref<128xi32, #tpu.memory_space<vmem>>) semaphore(%arg14 : memref<!tpu.dma_semaphore, #tpu.memory_space<semaphore_mem>>)
    %dma_start3A_77 = arith.constant 3 : i32
    %dma_start3A_78 = arith.constant 384 : i32
    %dma_start3A_79 = arith.constant 0 : i32
    %dma_start3A_80 = tpu.memref_slice %arg10[%dma_start3A_78, %dma_start3A_79] : memref<512x32xf32, #tpu.memory_space<vmem>> -> memref<128x32xf32, #tpu.memory_space<vmem>>
    %dma_start3A_81 = arith.constant 0 : i32
    %dma_start3A_82 = tpu.memref_slice %arg8[%dma_start3A_77, %dma_start3A_81] : memref<4x128xi32, #tpu.memory_space<vmem>> -> memref<1x128xi32, #tpu.memory_space<vmem>>
    %dma_start3A_83 = tpu.memref_squeeze %dma_start3A_82 : memref<1x128xi32, #tpu.memory_space<vmem>> -> memref<128xi32, #tpu.memory_space<vmem>>
    %dma_start3A_84 = arith.constant 0 : i32
    %dma_start3A_85 = arith.constant 0 : i32
    %dma_start3A_86 = tpu.memref_slice %arg4[%dma_start3A_84, %dma_start3A_85] : memref<1000000x32xf32, #tpu.memory_space<hbm>> -> memref<1000000x32xf32, #tpu.memory_space<hbm>>
    tpu.enqueue_indirect_dma source(%dma_start3A_86 : memref<1000000x32xf32, #tpu.memory_space<hbm>>) target(%dma_start3A_80 : memref<128x32xf32, #tpu.memory_space<vmem>>) offsets(%dma_start3A_83 : memref<128xi32, #tpu.memory_space<vmem>>) semaphore(%arg14 : memref<!tpu.dma_semaphore, #tpu.memory_space<semaphore_mem>>)
    %dma_start3A_87 = arith.constant 3 : i32
    %dma_start3A_88 = arith.constant 384 : i32
    %dma_start3A_89 = arith.constant 0 : i32
    %dma_start3A_90 = tpu.memref_slice %arg11[%dma_start3A_88, %dma_start3A_89] : memref<512x32xf32, #tpu.memory_space<vmem>> -> memref<128x32xf32, #tpu.memory_space<vmem>>
    %dma_start3A_91 = arith.constant 0 : i32
    %dma_start3A_92 = tpu.memref_slice %arg9[%dma_start3A_87, %dma_start3A_91] : memref<4x128xi32, #tpu.memory_space<vmem>> -> memref<1x128xi32, #tpu.memory_space<vmem>>
    %dma_start3A_93 = tpu.memref_squeeze %dma_start3A_92 : memref<1x128xi32, #tpu.memory_space<vmem>> -> memref<128xi32, #tpu.memory_space<vmem>>
    %dma_start3A_94 = arith.constant 0 : i32
    %dma_start3A_95 = arith.constant 0 : i32
    %dma_start3A_96 = tpu.memref_slice %arg5[%dma_start3A_94, %dma_start3A_95] : memref<100000x32xf32, #tpu.memory_space<hbm>> -> memref<100000x32xf32, #tpu.memory_space<hbm>>
    tpu.enqueue_indirect_dma source(%dma_start3A_96 : memref<100000x32xf32, #tpu.memory_space<hbm>>) target(%dma_start3A_90 : memref<128x32xf32, #tpu.memory_space<vmem>>) offsets(%dma_start3A_93 : memref<128xi32, #tpu.memory_space<vmem>>) semaphore(%arg14 : memref<!tpu.dma_semaphore, #tpu.memory_space<semaphore_mem>>)
    %dma_wait3A = arith.constant 0 : i32
    %dma_wait3A_97 = arith.constant 0 : i32
    %dma_wait3A_98 = arith.constant 0 : i32
    %dma_wait3A_99 = tpu.memref_slice %arg10[%dma_wait3A_97, %dma_wait3A_98] : memref<512x32xf32, #tpu.memory_space<vmem>> -> memref<128x32xf32, #tpu.memory_space<vmem>>
    %dma_wait3A_100 = arith.constant 0 : i32
    %dma_wait3A_101 = tpu.memref_slice %arg8[%dma_wait3A, %dma_wait3A_100] : memref<4x128xi32, #tpu.memory_space<vmem>> -> memref<1x128xi32, #tpu.memory_space<vmem>>
    %dma_wait3A_102 = tpu.memref_squeeze %dma_wait3A_101 : memref<1x128xi32, #tpu.memory_space<vmem>> -> memref<128xi32, #tpu.memory_space<vmem>>
    %dma_wait3A_103 = arith.constant 0 : i32
    %dma_wait3A_104 = arith.constant 0 : i32
    %dma_wait3A_105 = tpu.memref_slice %arg4[%dma_wait3A_103, %dma_wait3A_104] : memref<1000000x32xf32, #tpu.memory_space<hbm>> -> memref<1000000x32xf32, #tpu.memory_space<hbm>>
    tpu.wait_indirect_dma semaphore(%arg14 : memref<!tpu.dma_semaphore, #tpu.memory_space<semaphore_mem>>) src(%dma_wait3A_105 : memref<1000000x32xf32, #tpu.memory_space<hbm>>) dst(%dma_wait3A_99 : memref<128x32xf32, #tpu.memory_space<vmem>>)
    %dma_wait3A_106 = arith.constant 0 : i32
    %dma_wait3A_107 = arith.constant 0 : i32
    %dma_wait3A_108 = arith.constant 0 : i32
    %dma_wait3A_109 = tpu.memref_slice %arg11[%dma_wait3A_107, %dma_wait3A_108] : memref<512x32xf32, #tpu.memory_space<vmem>> -> memref<128x32xf32, #tpu.memory_space<vmem>>
    %dma_wait3A_110 = arith.constant 0 : i32
    %dma_wait3A_111 = tpu.memref_slice %arg9[%dma_wait3A_106, %dma_wait3A_110] : memref<4x128xi32, #tpu.memory_space<vmem>> -> memref<1x128xi32, #tpu.memory_space<vmem>>
    %dma_wait3A_112 = tpu.memref_squeeze %dma_wait3A_111 : memref<1x128xi32, #tpu.memory_space<vmem>> -> memref<128xi32, #tpu.memory_space<vmem>>
    %dma_wait3A_113 = arith.constant 0 : i32
    %dma_wait3A_114 = arith.constant 0 : i32
    %dma_wait3A_115 = tpu.memref_slice %arg5[%dma_wait3A_113, %dma_wait3A_114] : memref<100000x32xf32, #tpu.memory_space<hbm>> -> memref<100000x32xf32, #tpu.memory_space<hbm>>
    tpu.wait_indirect_dma semaphore(%arg14 : memref<!tpu.dma_semaphore, #tpu.memory_space<semaphore_mem>>) src(%dma_wait3A_115 : memref<100000x32xf32, #tpu.memory_space<hbm>>) dst(%dma_wait3A_109 : memref<128x32xf32, #tpu.memory_space<vmem>>)
    %dma_wait3A_116 = arith.constant 1 : i32
    %dma_wait3A_117 = arith.constant 128 : i32
    %dma_wait3A_118 = arith.constant 0 : i32
    %dma_wait3A_119 = tpu.memref_slice %arg10[%dma_wait3A_117, %dma_wait3A_118] : memref<512x32xf32, #tpu.memory_space<vmem>> -> memref<128x32xf32, #tpu.memory_space<vmem>>
    %dma_wait3A_120 = arith.constant 0 : i32
    %dma_wait3A_121 = tpu.memref_slice %arg8[%dma_wait3A_116, %dma_wait3A_120] : memref<4x128xi32, #tpu.memory_space<vmem>> -> memref<1x128xi32, #tpu.memory_space<vmem>>
    %dma_wait3A_122 = tpu.memref_squeeze %dma_wait3A_121 : memref<1x128xi32, #tpu.memory_space<vmem>> -> memref<128xi32, #tpu.memory_space<vmem>>
    %dma_wait3A_123 = arith.constant 0 : i32
    %dma_wait3A_124 = arith.constant 0 : i32
    %dma_wait3A_125 = tpu.memref_slice %arg4[%dma_wait3A_123, %dma_wait3A_124] : memref<1000000x32xf32, #tpu.memory_space<hbm>> -> memref<1000000x32xf32, #tpu.memory_space<hbm>>
    tpu.wait_indirect_dma semaphore(%arg14 : memref<!tpu.dma_semaphore, #tpu.memory_space<semaphore_mem>>) src(%dma_wait3A_125 : memref<1000000x32xf32, #tpu.memory_space<hbm>>) dst(%dma_wait3A_119 : memref<128x32xf32, #tpu.memory_space<vmem>>)
    %dma_wait3A_126 = arith.constant 1 : i32
    %dma_wait3A_127 = arith.constant 128 : i32
    %dma_wait3A_128 = arith.constant 0 : i32
    %dma_wait3A_129 = tpu.memref_slice %arg11[%dma_wait3A_127, %dma_wait3A_128] : memref<512x32xf32, #tpu.memory_space<vmem>> -> memref<128x32xf32, #tpu.memory_space<vmem>>
    %dma_wait3A_130 = arith.constant 0 : i32
    %dma_wait3A_131 = tpu.memref_slice %arg9[%dma_wait3A_126, %dma_wait3A_130] : memref<4x128xi32, #tpu.memory_space<vmem>> -> memref<1x128xi32, #tpu.memory_space<vmem>>
    %dma_wait3A_132 = tpu.memref_squeeze %dma_wait3A_131 : memref<1x128xi32, #tpu.memory_space<vmem>> -> memref<128xi32, #tpu.memory_space<vmem>>
    %dma_wait3A_133 = arith.constant 0 : i32
    %dma_wait3A_134 = arith.constant 0 : i32
    %dma_wait3A_135 = tpu.memref_slice %arg5[%dma_wait3A_133, %dma_wait3A_134] : memref<100000x32xf32, #tpu.memory_space<hbm>> -> memref<100000x32xf32, #tpu.memory_space<hbm>>
    tpu.wait_indirect_dma semaphore(%arg14 : memref<!tpu.dma_semaphore, #tpu.memory_space<semaphore_mem>>) src(%dma_wait3A_135 : memref<100000x32xf32, #tpu.memory_space<hbm>>) dst(%dma_wait3A_129 : memref<128x32xf32, #tpu.memory_space<vmem>>)
    %dma_wait3A_136 = arith.constant 2 : i32
    %dma_wait3A_137 = arith.constant 256 : i32
    %dma_wait3A_138 = arith.constant 0 : i32
    %dma_wait3A_139 = tpu.memref_slice %arg10[%dma_wait3A_137, %dma_wait3A_138] : memref<512x32xf32, #tpu.memory_space<vmem>> -> memref<128x32xf32, #tpu.memory_space<vmem>>
    %dma_wait3A_140 = arith.constant 0 : i32
    %dma_wait3A_141 = tpu.memref_slice %arg8[%dma_wait3A_136, %dma_wait3A_140] : memref<4x128xi32, #tpu.memory_space<vmem>> -> memref<1x128xi32, #tpu.memory_space<vmem>>
    %dma_wait3A_142 = tpu.memref_squeeze %dma_wait3A_141 : memref<1x128xi32, #tpu.memory_space<vmem>> -> memref<128xi32, #tpu.memory_space<vmem>>
    %dma_wait3A_143 = arith.constant 0 : i32
    %dma_wait3A_144 = arith.constant 0 : i32
    %dma_wait3A_145 = tpu.memref_slice %arg4[%dma_wait3A_143, %dma_wait3A_144] : memref<1000000x32xf32, #tpu.memory_space<hbm>> -> memref<1000000x32xf32, #tpu.memory_space<hbm>>
    tpu.wait_indirect_dma semaphore(%arg14 : memref<!tpu.dma_semaphore, #tpu.memory_space<semaphore_mem>>) src(%dma_wait3A_145 : memref<1000000x32xf32, #tpu.memory_space<hbm>>) dst(%dma_wait3A_139 : memref<128x32xf32, #tpu.memory_space<vmem>>)
    %dma_wait3A_146 = arith.constant 2 : i32
    %dma_wait3A_147 = arith.constant 256 : i32
    %dma_wait3A_148 = arith.constant 0 : i32
    %dma_wait3A_149 = tpu.memref_slice %arg11[%dma_wait3A_147, %dma_wait3A_148] : memref<512x32xf32, #tpu.memory_space<vmem>> -> memref<128x32xf32, #tpu.memory_space<vmem>>
    %dma_wait3A_150 = arith.constant 0 : i32
    %dma_wait3A_151 = tpu.memref_slice %arg9[%dma_wait3A_146, %dma_wait3A_150] : memref<4x128xi32, #tpu.memory_space<vmem>> -> memref<1x128xi32, #tpu.memory_space<vmem>>
    %dma_wait3A_152 = tpu.memref_squeeze %dma_wait3A_151 : memref<1x128xi32, #tpu.memory_space<vmem>> -> memref<128xi32, #tpu.memory_space<vmem>>
    %dma_wait3A_153 = arith.constant 0 : i32
    %dma_wait3A_154 = arith.constant 0 : i32
    %dma_wait3A_155 = tpu.memref_slice %arg5[%dma_wait3A_153, %dma_wait3A_154] : memref<100000x32xf32, #tpu.memory_space<hbm>> -> memref<100000x32xf32, #tpu.memory_space<hbm>>
    tpu.wait_indirect_dma semaphore(%arg14 : memref<!tpu.dma_semaphore, #tpu.memory_space<semaphore_mem>>) src(%dma_wait3A_155 : memref<100000x32xf32, #tpu.memory_space<hbm>>) dst(%dma_wait3A_149 : memref<128x32xf32, #tpu.memory_space<vmem>>)
    %dma_wait3A_156 = arith.constant 3 : i32
    %dma_wait3A_157 = arith.constant 384 : i32
    %dma_wait3A_158 = arith.constant 0 : i32
    %dma_wait3A_159 = tpu.memref_slice %arg10[%dma_wait3A_157, %dma_wait3A_158] : memref<512x32xf32, #tpu.memory_space<vmem>> -> memref<128x32xf32, #tpu.memory_space<vmem>>
    %dma_wait3A_160 = arith.constant 0 : i32
    %dma_wait3A_161 = tpu.memref_slice %arg8[%dma_wait3A_156, %dma_wait3A_160] : memref<4x128xi32, #tpu.memory_space<vmem>> -> memref<1x128xi32, #tpu.memory_space<vmem>>
    %dma_wait3A_162 = tpu.memref_squeeze %dma_wait3A_161 : memref<1x128xi32, #tpu.memory_space<vmem>> -> memref<128xi32, #tpu.memory_space<vmem>>
    %dma_wait3A_163 = arith.constant 0 : i32
    %dma_wait3A_164 = arith.constant 0 : i32
    %dma_wait3A_165 = tpu.memref_slice %arg4[%dma_wait3A_163, %dma_wait3A_164] : memref<1000000x32xf32, #tpu.memory_space<hbm>> -> memref<1000000x32xf32, #tpu.memory_space<hbm>>
    tpu.wait_indirect_dma semaphore(%arg14 : memref<!tpu.dma_semaphore, #tpu.memory_space<semaphore_mem>>) src(%dma_wait3A_165 : memref<1000000x32xf32, #tpu.memory_space<hbm>>) dst(%dma_wait3A_159 : memref<128x32xf32, #tpu.memory_space<vmem>>)
    %dma_wait3A_166 = arith.constant 3 : i32
    %dma_wait3A_167 = arith.constant 384 : i32
    %dma_wait3A_168 = arith.constant 0 : i32
    %dma_wait3A_169 = tpu.memref_slice %arg11[%dma_wait3A_167, %dma_wait3A_168] : memref<512x32xf32, #tpu.memory_space<vmem>> -> memref<128x32xf32, #tpu.memory_space<vmem>>
    %dma_wait3A_170 = arith.constant 0 : i32
    %dma_wait3A_171 = tpu.memref_slice %arg9[%dma_wait3A_166, %dma_wait3A_170] : memref<4x128xi32, #tpu.memory_space<vmem>> -> memref<1x128xi32, #tpu.memory_space<vmem>>
    %dma_wait3A_172 = tpu.memref_squeeze %dma_wait3A_171 : memref<1x128xi32, #tpu.memory_space<vmem>> -> memref<128xi32, #tpu.memory_space<vmem>>
    %dma_wait3A_173 = arith.constant 0 : i32
    %dma_wait3A_174 = arith.constant 0 : i32
    %dma_wait3A_175 = tpu.memref_slice %arg5[%dma_wait3A_173, %dma_wait3A_174] : memref<100000x32xf32, #tpu.memory_space<hbm>> -> memref<100000x32xf32, #tpu.memory_space<hbm>>
    tpu.wait_indirect_dma semaphore(%arg14 : memref<!tpu.dma_semaphore, #tpu.memory_space<semaphore_mem>>) src(%dma_wait3A_175 : memref<100000x32xf32, #tpu.memory_space<hbm>>) dst(%dma_wait3A_169 : memref<128x32xf32, #tpu.memory_space<vmem>>)
    %iota3A = tpu.iota {dimensions = array<i32: 0>} : vector<16xi32>
    %get3A = arith.constant 0 : index
    %get3A_176 = tpu.vector_load %arg12[%get3A] {strides = array<i32>} : memref<72xf32, #tpu.memory_space<vmem>>, vector<16xf32>,
    %get3A_177 = arith.constant 16 : index
    %get3A_178 = tpu.vector_load %arg12[%get3A_177] {strides = array<i32>} : memref<72xf32, #tpu.memory_space<vmem>>, vector<16xf32>,
    %get3A_179 = arith.constant 32 : index
    %get3A_180 = tpu.vector_load %arg12[%get3A_179] {strides = array<i32>} : memref<72xf32, #tpu.memory_space<vmem>>, vector<16xf32>,
    %get3A_181 = arith.constant 48 : index
    %get3A_182 = tpu.vector_load %arg12[%get3A_181] {strides = array<i32>} : memref<72xf32, #tpu.memory_space<vmem>>, vector<16xf32>,
    %broadcast_in_dim3A = arith.constant 64 : i32
    %broadcast_in_dim3A_183 = vector.broadcast %broadcast_in_dim3A : i32 to vector<16xi32>
    %gather3A = tpu.vector_load_idx %arg12[%broadcast_in_dim3A_183] : memref<72xf32, #tpu.memory_space<vmem>>[vector<16xi32>], vector<16xf32>,
    %eq3A = arith.constant 15 : i32
    %eq3A_184 = vector.broadcast %eq3A : i32 to vector<16xi32>
    %eq3A_185 = arith.cmpi eq, %iota3A, %eq3A_184 : vector<16xi32>
    %add3A_186 = arith.constant 16 : i32
    %add3A_187 = vector.broadcast %add3A_186 : i32 to vector<16xi32>
    %add3A_188 = arith.addi %iota3A, %add3A_187 : vector<16xi32>
    %scan3A = arith.constant 0 : i32
    %scan3A_189 = arith.constant 0 : i32
    %scan3A_190 = arith.constant 512 : i32
    %scan3A_191 = arith.addi %scan3A_189, %scan3A_190 : i32
    %scan3A_192 = arith.constant 1 : i32
    scf.for %scan3A_194 = %scan3A_189 to %scan3A_191 step %scan3A_192  : i32 {
      %broadcast_in_dim3A_195 = vector.broadcast %scan3A_194 : i32 to vector<16xi32>
      %gather3A_196 = tpu.vector_load_idx %arg10[%broadcast_in_dim3A_195, %iota3A] : memref<512x32xf32, #tpu.memory_space<vmem>>[vector<16xi32>, vector<16xi32>], vector<16xf32>,
      %gather3A_197 = tpu.vector_load_idx %arg10[%broadcast_in_dim3A_195, %add3A_188] : memref<512x32xf32, #tpu.memory_space<vmem>>[vector<16xi32>, vector<16xi32>], vector<16xf32>,
      %gather3A_198 = tpu.vector_load_idx %arg11[%broadcast_in_dim3A_195, %iota3A] : memref<512x32xf32, #tpu.memory_space<vmem>>[vector<16xi32>, vector<16xi32>], vector<16xf32>,
      %gather3A_199 = tpu.vector_load_idx %arg11[%broadcast_in_dim3A_195, %add3A_188] : memref<512x32xf32, #tpu.memory_space<vmem>>[vector<16xi32>, vector<16xi32>], vector<16xf32>,
      %mul3A_200 = arith.mulf %gather3A_196, %get3A_176 : vector<16xf32>
      %mul3A_201 = arith.mulf %gather3A_197, %get3A_178 : vector<16xf32>
      %add3A_202 = arith.addf %mul3A_200, %mul3A_201 : vector<16xf32>
      %mul3A_203 = arith.mulf %gather3A_198, %get3A_180 : vector<16xf32>
      %add3A_204 = arith.addf %add3A_202, %mul3A_203 : vector<16xf32>
      %mul3A_205 = arith.mulf %gather3A_199, %get3A_182 : vector<16xf32>
      %add3A_206 = arith.addf %add3A_204, %mul3A_205 : vector<16xf32>
      %broadcast_in_dim3A_207 = arith.constant true
      %broadcast_in_dim3A_208 = vector.broadcast %broadcast_in_dim3A_207 : i1 to vector<16xi1>
      %masked_cumsum3A = tpu.scan <sum>, %add3A_206 masked %broadcast_in_dim3A_208 : vector<16xf32>, vector<16xi1> -> vector<16xf32>
      %add3A_209 = arith.addf %masked_cumsum3A, %gather3A : vector<16xf32>
      tpu.vector_store_idx %arg13[%broadcast_in_dim3A_195], %add3A_209 masked %eq3A_185 : memref<512xf32, #tpu.memory_space<vmem>>[vector<16xi32>], vector<16xf32>, vector<16xi1>
    }
    %scan3A_193 = arith.constant 512 : i32
    "tpu.region"() ({
      %run_scoped3A_194 = tpu.sem_alloc : memref<!tpu.dma_semaphore, #tpu.memory_space<semaphore_mem>>
      %dma_start3A_195 = tpu.memref_slice %arg7[%mul3A_2] : memref<16384xf32, #tpu.memory_space<hbm>> -> memref<512xf32, #tpu.memory_space<hbm>>
      %dma_start3A_196 = tpu.memref_slice %arg7[%mul3A_2] : memref<16384xf32, #tpu.memory_space<hbm>> -> memref<512xf32, #tpu.memory_space<hbm>>
      tpu.enqueue_dma source(%arg13 : memref<512xf32, #tpu.memory_space<vmem>>) target(%dma_start3A_196 : memref<512xf32, #tpu.memory_space<hbm>>) target_semaphore(%run_scoped3A_194 : memref<!tpu.dma_semaphore, #tpu.memory_space<semaphore_mem>>)
      %dma_wait3A_197 = tpu.memref_slice %arg7[%mul3A_2] : memref<16384xf32, #tpu.memory_space<hbm>> -> memref<512xf32, #tpu.memory_space<hbm>>
      %dma_wait3A_198 = tpu.memref_slice %arg7[%mul3A_2] : memref<16384xf32, #tpu.memory_space<hbm>> -> memref<512xf32, #tpu.memory_space<hbm>>
      tpu.wait_dma2 semaphore(%run_scoped3A_194 : memref<!tpu.dma_semaphore, #tpu.memory_space<semaphore_mem>>) src(%arg13 : memref<512xf32, #tpu.memory_space<vmem>>) dst(%dma_wait3A_198 : memref<512xf32, #tpu.memory_space<hbm>>)
      tpu.yield
    }) : () -> ()
    return
  }
}

</mosaic_0001>

<sc_bundles>
// kernel: kernel.3.cloned.1.call-start
scs
__scs_entry_jumppad:
0x0: {  	(pc) =	sbr.rel $0x88, $3  }
0x1: {  	(tag) =	ssettag $0x0;
	lr =	simm.s32 $0x1  }
0x2: {  	[smem:$0x3F9B] =	sst lr;
	_ =	strace $0xD0000000  }
0x3: {  	_ = 	snop  }
0x4: {  	_ = 	snop  }
0x5: {  	_ = 	snop  }
0x6: {  	_ = 	snop  }
0x7: {  	_ = 	snop  }
__scs_overlays_trampoline_lowered:
0x8: {  	[smem:$0x3FAA] =	sst s0  }
0x9: {  	[smem:$0x3FAB] =	sst s1  }
0xa: {  	[smem:$0x3FAC] =	sst s2  }
0xb: {  	[smem:$0x3FAD] =	sst s3  }
0xc: {  	[smem:$0x3FAE] =	sst s4  }
0xd: {  	[smem:$0x3FAF] =	sst s5  }
0xe: {  	[smem:$0x3FB0] =	sst s6  }
0xf: {  	[smem:$0x3FB1] =	sst s7  }
0x10: {  	[smem:$0x3FB2] =	sst s8  }
0x11: {  	[smem:$0x3FB3] =	sst s9;
	s0 =	simm.s32 @!p0 $0x0  }
0x12: {  	s1 =	sld [smem:$0x3F99];
	s0 =	simm.s32 @p0 $0x1  }
0x13: {  	[smem:$0x3FB4] =	sst s0;
	s0 =	simm.s32 @!p1 $0x0  }
0x14: {  	s2 =	sld [smem:$0x3F98];
	s0 =	simm.s32 @p1 $0x1  }
0x15: {  	[smem:$0x3FB5] =	sst s0;
	s0 =	simm.s32 @!p2 $0x0  }
0x16: {  	s3 =	sld [smem:$0x3FDB];
	s0 =	simm.s32 @p2 $0x1  }
0x17: {  	s4 =	simm.s32 $0x1BF5;
	[smem:$0x3FB7] =	sst s0  }
0x18: {  	s0 =	sld [smem:$0x3F9A];
	_ =	swait.ge [sflag:s4], $0x0  }
0x19: {  	s7 =	sld [smem:$0x3F9B]  }
0x1a: {  	s8 =	sadd.s32 $0xFFFFE003, lr  }
0x1b: {  	s9 =	sadd.s32 $0xFFFFFEF7, lr;
	s5 =	simm.s32 $0xFFFFFFFF;
	p2 =	slt.u32 s8, $0xFFFFF086  }
0x1c: {  	p1 =	slt.u32 s9, $0xF7A;
	s5 =	simm.s32 @!p2 $0x0  }
0x1d: {  	s5 =	simm.s32 @p1 $0x1;
	p0 =	seq.s32 s7, s2  }
0x1e: {  	s7 =	smul.u32 @!p0 $0xF7A, s2;
	p2 =	seq.s32 @!p0 s5, $0x0  }
0x1f: {  	s9 =	smul.u32 $0xF7A, s1;
	s8 =	simm.s32 @!p0 $0x1BF5;
	p2 =	por !p2, p0  }
0x20: {  	[sflag:s8] =	ssyncset.s32 @!p0 $0xFFFFF086;
	s6 =	sadd.s32 @!p0 s3, s7;
	s7 =	simm.s32 @!p0 $0x108  }
0x21: {  	s3 =	sadd.s32 s3, s9;
	s6 =	sadd.s32 @!p0 $0x88, s6;
	s7 =	simm.s32 @p2 $0x1082  }
0x22: {  	[simem:s7], [sflag:s8] =	dma.local @!p0 [hbm:s6], $0xF7A  }
0x23: {  	s9 =	sor.u32 $0xD0000000, s2;
	s6 =	simm.s32 $0x108;
	_ =	swait.ge @!p0 [sflag:s8], $0x0  }
0x24: {  	s3 =	sadd.s32 $0x88, s3;
	s6 =	simm.s32 @!p1 $0x1082;
	[sflag:s4] =	ssyncset.s32 $0xFFFFF086  }
0x25: {  	[simem:s6], [sflag:s4] =	dma.local [hbm:s3], $0xF7A  }
0x26: {  	[smem:$0x3F9B] =	sst s1;
	(tag) =	ssettag s2;
	_ =	strace s9  }
0x27: {  	s1 =	sld [smem:$0x3FAB]  }
0x28: {  	s2 =	sld [smem:$0x3FAC]  }
0x29: {  	s4 =	sld [smem:$0x3FAE]  }
0x2a: {  	p0 =	seq.s32 s5, $0x0;
	s5 =	sld [smem:$0x3FAF]  }
0x2b: {  	s6 =	sld [smem:$0x3FB0]  }
0x2c: {  	s7 =	sld [smem:$0x3FB1]  }
0x2d: {  	s3 =	simm.s32 $0x108;
	s8 =	sld [smem:$0x3FB2]  }
0x2e: {  	s3 =	simm.s32 @!p0 $0x1082;
	s9 =	sld [smem:$0x3FB3]  }
0x2f: {  	lr =	sadd.s32 s0, s3;
	s0 =	sld [smem:$0x3FAA]  }
0x30: {  	s3 =	sld [smem:$0x3FAD]  }
0x31: {  	[smem:$0x3FB6] =	sst s10  }
0x32: {  	s10 =	sld [smem:$0x3FB4];
	_ =	sdelay $0x3  }
0x33: {  	p0 =	seq.s32 s10, $0x1;
	s10 =	sld [smem:$0x3FB6];
	_ =	sdelay $0x3  }
0x34: {  	[smem:$0x3FB6] =	sst s10  }
0x35: {  	s10 =	sld [smem:$0x3FB5];
	_ =	sdelay $0x3  }
0x36: {  	p1 =	seq.s32 s10, $0x1;
	s10 =	sld [smem:$0x3FB6];
	_ =	sdelay $0x3  }
0x37: {  	[smem:$0x3FB6] =	sst s10  }
0x38: {  	s10 =	sld [smem:$0x3FB7]  }
0x39: {  	_ = 	snop;
	(pc) =	sbr.ind lr, $3  }
0x3a: {  	_ = 	snop  }
0x3b: {  	_ = 	snop  }
0x3c: {  	p2 =	seq.s32 s10, $0x1;
	s10 =	sld [smem:$0x3FB6]  }
0x3d: {  	_ =	shalt  }
0x3e: {  	_ =	shalt  }
0x3f: {  	_ =	shalt  }
0x40: {  	_ =	shalt  }
0x41: {  	_ =	shalt  }
0x42: {  	_ =	shalt  }
0x43: {  	_ =	shalt  }
0x44: {  	_ =	shalt  }
0x45: {  	_ =	shalt  }
0x46: {  	_ =	shalt  }
0x47: {  	_ =	shalt  }
0x48: {  	_ =	shalt  }
0x49: {  	_ =	shalt  }
0x4a: {  	_ =	shalt  }
0x4b: {  	_ =	shalt  }
0x4c: {  	_ =	shalt  }
0x4d: {  	_ =	shalt  }
0x4e: {  	_ =	shalt  }
0x4f: {  	_ =	shalt  }
0x50: {  	_ =	shalt  }
0x51: {  	_ =	shalt  }
0x52: {  	_ =	shalt  }
0x53: {  	_ =	shalt  }
0x54: {  	_ =	shalt  }
0x55: {  	_ =	shalt  }
0x56: {  	_ =	shalt  }
0x57: {  	_ =	shalt  }
0x58: {  	_ =	shalt  }
0x59: {  	_ =	shalt  }
0x5a: {  	_ =	shalt  }
0x5b: {  	_ =	shalt  }
0x5c: {  	_ =	shalt  }
0x5d: {  	_ =	shalt  }
0x5e: {  	_ =	shalt  }
0x5f: {  	_ =	shalt  }
0x60: {  	_ =	shalt  }
0x61: {  	_ =	shalt  }
0x62: {  	_ =	shalt  }
0x63: {  	_ =	shalt  }
0x64: {  	_ =	shalt  }
0x65: {  	_ =	shalt  }
0x66: {  	_ =	shalt  }
0x67: {  	_ =	shalt  }
0x68: {  	_ =	shalt  }
0x69: {  	_ =	shalt  }
0x6a: {  	_ =	shalt  }
0x6b: {  	_ =	shalt  }
0x6c: {  	_ =	shalt  }
0x6d: {  	_ =	shalt  }
0x6e: {  	_ =	shalt  }
0x6f: {  	_ =	shalt  }
0x70: {  	_ =	shalt  }
0x71: {  	_ =	shalt  }
0x72: {  	_ =	shalt  }
0x73: {  	_ =	shalt  }
0x74: {  	_ =	shalt  }
0x75: {  	_ =	shalt  }
0x76: {  	_ =	shalt  }
0x77: {  	_ =	shalt  }
0x78: {  	_ =	shalt  }
0x79: {  	_ =	shalt  }
0x7a: {  	_ =	shalt  }
0x7b: {  	_ =	shalt  }
0x7c: {  	_ =	shalt  }
0x7d: {  	_ =	shalt  }
0x7e: {  	_ =	shalt  }
0x7f: {  	_ =	shalt  }
0x80: {  	_ =	shalt  }
0x81: {  	_ =	shalt  }
0x82: {  	_ =	shalt  }
0x83: {  	_ =	shalt  }
0x84: {  	_ =	shalt  }
0x85: {  	_ =	shalt  }
0x86: {  	_ =	shalt  }
0x87: {  	_ =	shalt  }
.Lfunc_end0:
.L_simem_size_0:
called_computation_lowered:
.L_overlay_start_0:
0x88: {  	s2 =	sld [smem:$0x3FD9]  }
0x89: {  	s3 =	sld [smem:$0x3FFE];
	_ =	sdelay $0x1  }
0x8a: {  	s1 =	srdreg.scid  }
0x8b: {  	s0 =	sand.u32 $0x1, s1  }
0x8c: {  	s17 =	sshll.u32 s0, $0xA;
	s2 =	sadd.s32 s3, s2  }
0x8d: {  	s2 =	sadd.s32 s2, s17  }
0x8e: {  	[smem:$0x3FC2] =	sst s2  }
0x8f: {  	_ = 	snop  }
0x90: {  	s2 =	sld [smem:$0x3FC9]  }
0x91: {  	s18 =	sld [smem:$0x3FC8]  }
0x92: {  	s4 =	sld [smem:$0x3FD0];
	(tm) =	ssettm $0x1  }
0x93: {  	s5 =	sld [smem:$0x3FFB];
	_ =	sdelay $0x3  }
0x94: {  	_ =	strace s5  }
0x95: {  	s5 =	sld [smem:$0x3FFC];
	_ =	sdelay $0x3  }
0x96: {  	_ =	strace s5  }
0x97: {  	s5 =	sld [smem:$0x3FFD];
	_ =	sdelay $0x3  }
0x98: {  	_ =	strace s5  }
0x99: {  	_ =	strace $0x8FFFFFFF  }
0x9a: {  	s19 =	sld [smem:$0x3FDB];
	_ =	sdelay $0x1  }
0x9b: {  	s6 =	simm.s32 $_scs_section_size  }
0x9c: {  	s7 =	simm.s32 $_size__tile_overlayer_lowered;
	s8 =	simm.s32 $_tile_overlayer_lowered  }
0x9d: {  	s22 =	simm.s32 $0x1BFF;
	s21 =	sshll.u32 s8, $0x1;
	s5 =	sadd.s32 s6, s19  }
0x9e: {  	s9 =	simm.s32 $0x0;
	s20 =	sshll.u32 s7, $0x1;
	s7 =	sadd.s32 s21, s5  }
0x9f: {  	[timem:s9], [sflag:s22] =	dma.local [hbm:s7], s20  }
0xa0: {  	_ =	swait.ge [sflag:s22], s20  }
0xa1: {  	s6 =	ssub.s32 $0x0, s20;
	[sflag:s22] =	ssyncset.done $0x0  }
0xa2: {  	[sflag:s22] =	ssyncadd.s32 s6;
	_ =	sdelay $0x1  }
0xa3: {  	s23 =	simm.s32 $0x1B8B  }
0xa4: {  	_ =	swait.ge [sflag:s23], $0x1  }
0xa5: {  	[sflag:s23] =	ssyncset.done $0x0  }
0xa6: {  	s25 =	simm.s32 $0x1B8E;
	s24 =	sld [smem:$0x3FFE];
	[sflag:s23] =	ssyncadd.s32 $0xFFFFFFFF  }
0xa7: {  	s26 =	simm.s32 $execute0_lowered;
	[smem:$0x3FD2] =	sst s25  }
0xa8: {  	s7 =	sshll.u32 s26, $0x1;
	_ =	strace $0x80000046;
	[dreg:$0x1] =	wrdreg $0xFFFFFFFF  }
0xa9: {  	s28 =	simm.s32 $_size_execute0_lowered;
	s5 =	sadd.s32 s5, s7;
	[dreg:$0x0] =	wrdreg $0x0  }
0xaa: {  	s7 =	sshll.u32 s28, $0x1;
	[dreg:$0x2] =	wrdreg s5  }
0xab: {  	[dreg:$0x3] =	wrdreg s7  }
0xac: {  	[dreg:$0x4] =	wrdreg $0xC0  }
0xad: {  	_ =	task [dreg:s9], $0x5FFFF  }
0xae: {  	[dreg:$0x1] =	wrdreg $0xFFFFFFFF  }
0xaf: {  	[dreg:$0x0] =	wrdreg $0x60  }
0xb0: {  	[dreg:$0x2] =	wrdreg s2  }
0xb1: {  	[dreg:$0x3] =	wrdreg s18  }
0xb2: {  	[dreg:$0x4] =	wrdreg s24  }
0xb3: {  	[dreg:$0x5] =	wrdreg s4  }
0xb4: {  	[dreg:$0x6] =	wrdreg $0x9  }
0xb5: {  	_ =	task.clear_ibuf [dreg:s9], $0x7FFFF;
	_ =	strace $0x90000046  }
0xb6: {  	s29 =	simm.s32 $0x9;
	_ =	strace $0x80000048  }
0xb7: {  	_ =	swait.ge [sflag:s29], $0x1  }
0xb8: {  	[sflag:s29] =	ssyncadd.s32 $0xFFFFFFFF  }
0xb9: {  	_ =	strace $0x90000048  }
0xba: {  	_ =	sfence  }
0xbb: {  	s30 =	sld [smem:$0x0];
	_ =	sdelay $0x2  }
0xbc: {  	s31 =	sshll.u32 s1, $0xD;
	s1 =	sshrl.u32 s1, $0x2  }
0xbd: {  	s3 =	sand.u32 $0x4000, s31;
	s1 =	sadd.s32 s1, s30  }
0xbe: {  	s0 =	sor.u32 s3, s0;
	s1 =	sshll.u32 s1, $0x11  }
0xbf: {  	s0 =	sor.u32 s1, s0  }
0xc0: {  	s0 =	sadd.s32 $0x8F2B, s0  }
0xc1: {  	[sflag:s0] =	ssyncadd.remote.s32 $0x1  }
0xc2: {  	_ =	sfence.sel $0xFFFF  }
0xc3: {  	[dreg:$0x0] =	wrdreg $0xFFFFFFFF;
	(pc) =	sbr.abs _section_cstart, $3  }
0xc4: {  	[dreg:$0x1] =	wrdreg $0xFFFFFFFF  }
0xc5: {  	_ =	task.clear_ibuf [dreg:s9], $0x2FFFF;
	_ =	strace $0x9FFFFFFF  }
0xc6: {  	(tm) =	ssettm $0x7FFFFFFF  }
0xc7: {  	_ =	shalt  }
tec
execute0_lowered:
.L_overlay_start_1:
0x0: {  	(tag) =	ssettag $0x1  }
0x1: {  	s0 =	rddreg [dreg:$0x0]  }
0x2: {  	s2 =	rddreg [dreg:$0x1]  }
0x3: {  	s5 =	rddreg [dreg:$0x2]  }
0x4: {  	s14 =	rddreg [dreg:$0x3];
	s1 =	simm.s32 $0x0;
	s4 =	srdreg.scid  }
0x5: {  	s9 =	stileid.u32;
	s17 =	simm.s32 $0x2;
	s18 =	simm.s32 $0x200  }
0x6: {  	s19 =	simm.s32 $0x80;
	s20 =	simm.s32 $0x280;
	s21 =	simm.s32 $0x100  }
0x7: {  	s22 =	simm.s32 $0x300;
	s23 =	simm.s32 $0x180;
	s24 =	simm.s32 $0x380  }
0x8: {  	s25 =	simm.s32 $0x400;
	s26 =	simm.s32 $0x4400;
	s28 =	simm.s32 $0x1  }
0x9: {  	s29 =	simm.s32 $0x8448;
	s30 =	simm.s32 $0x0;
	[smem:$0x7FF] =	sst s1  }
0xa: {  	s3 =	sadd.s32 $0xF42C00, s5;
	s6 =	sand.u32 $0x1, s4;
	s4 =	sadd.s32 $0x187200, s5  }
0xb: {  	s9 =	sshll.u32 s9, $0x7;
	s7 =	ssub.s32 $0x2, s6;
	s6 =	sshll.u32 s6, $0x6  }
0xc: {  	s5 =	sadd.s32 $0x800, s5;
	s8 =	sshrl.u32 s7, $0x1;
	s16 =	sor.u32 s6, s9  }
0xd: {  	_ =	strace $0x80000047;
	s15 =	ssub.s32 s7, s8;
	s6 =	sadd.s32 s0, s16  }
0xe: {  	s7 =	sadd.s32 s2, s16;
	s9 =	sor.u32 $0x10, s16;
	s11 =	sor.u32 $0x20, s16  }
0xf: {  	s13 =	sor.u32 $0x30, s16;
	s14 =	sadd.s32 s14, s16;
	s16 =	simm.s32 $0x8400  }
0x10: {  	s8 =	sadd.s32 s0, s9;
	s9 =	sadd.s32 s2, s9;
	s10 =	sadd.s32 s0, s11  }
0x11: {  	v0 =	vlaneseq.u32;
	vm0 =	vcmask $0x3F3C;
	s11 =	sadd.s32 s2, s11;
	s12 =	sadd.s32 s0, s13;
	s13 =	sadd.s32 s2, s13  }
0x12: {  	v1 =	vimm.s32 $0x40;
	v2 =	vor.u32 $0x10, v0;
	s15 =	smax.u32 s15, $0x1;
	s0 =	simm.s32 $0x3400;
	s2 =	simm.s32 $0x7400  }
.LBB2_1:
0x13: {  	[tilespmem:s16], [sflag:$0x2] =	stream.linear.gather [hbm4b:s5+s1], $0x48, $0x38;
	[tilespmem:$0x8648] =	vst v63  }
0x14: {  	_ =	swait.ge [sflag:s17], $0x48  }
0x15: {  	[sflag:s17] =	ssyncset.done $0x0  }
0x16: {  	[sflag:s17] =	ssyncadd.s32 $0xFFFFFFB8  }
0x17: {  	[tilespmem:s1], [sflag:$0x2] =	stream.linear.gather [hbm4b:s6+s1], $0x80, $0x38;
	[tilespmem:$0x8648] =	vst v63  }
0x18: {  	_ =	swait.ge [sflag:s17], $0x80  }
0x19: {  	[sflag:s17] =	ssyncset.done $0x0  }
0x1a: {  	[sflag:s17] =	ssyncadd.s32 $0xFFFFFF80  }
0x1b: {  	[tilespmem:s18], [sflag:$0x2] =	stream.linear.gather [hbm4b:s7+s1], $0x80, $0x38;
	[tilespmem:$0x8648] =	vst v63  }
0x1c: {  	_ =	swait.ge [sflag:s17], $0x80  }
0x1d: {  	[sflag:s17] =	ssyncset.done $0x0  }
0x1e: {  	[sflag:s17] =	ssyncadd.s32 $0xFFFFFF80  }
0x1f: {  	[tilespmem:s19], [sflag:$0x2] =	stream.linear.gather [hbm4b:s8+s1], $0x80, $0x38;
	[tilespmem:$0x8648] =	vst v63  }
0x20: {  	_ =	swait.ge [sflag:s17], $0x80  }
0x21: {  	[sflag:s17] =	ssyncset.done $0x0  }
0x22: {  	[sflag:s17] =	ssyncadd.s32 $0xFFFFFF80  }
0x23: {  	[tilespmem:s20], [sflag:$0x2] =	stream.linear.gather [hbm4b:s9+s1], $0x80, $0x38;
	[tilespmem:$0x8648] =	vst v63  }
0x24: {  	_ =	swait.ge [sflag:s17], $0x80  }
0x25: {  	[sflag:s17] =	ssyncset.done $0x0  }
0x26: {  	[sflag:s17] =	ssyncadd.s32 $0xFFFFFF80  }
0x27: {  	[tilespmem:s21], [sflag:$0x2] =	stream.linear.gather [hbm4b:s10+s1], $0x80, $0x38;
	[tilespmem:$0x8648] =	vst v63  }
0x28: {  	_ =	swait.ge [sflag:s17], $0x80  }
0x29: {  	[sflag:s17] =	ssyncset.done $0x0  }
0x2a: {  	[sflag:s17] =	ssyncadd.s32 $0xFFFFFF80  }
0x2b: {  	[tilespmem:s22], [sflag:$0x2] =	stream.linear.gather [hbm4b:s11+s1], $0x80, $0x38;
	[tilespmem:$0x8648] =	vst v63  }
0x2c: {  	_ =	swait.ge [sflag:s17], $0x80  }
0x2d: {  	[sflag:s17] =	ssyncset.done $0x0  }
0x2e: {  	[sflag:s17] =	ssyncadd.s32 $0xFFFFFF80  }
0x2f: {  	[tilespmem:s23], [sflag:$0x2] =	stream.linear.gather [hbm4b:s12+s1], $0x80, $0x38;
	[tilespmem:$0x8648] =	vst v63  }
0x30: {  	_ =	swait.ge [sflag:s17], $0x80  }
0x31: {  	[sflag:s17] =	ssyncset.done $0x0  }
0x32: {  	[sflag:s17] =	ssyncadd.s32 $0xFFFFFF80  }
0x33: {  	[tilespmem:s24], [sflag:$0x2] =	stream.linear.gather [hbm4b:s13+s1], $0x80, $0x38;
	[tilespmem:$0x8648] =	vst v63  }
0x34: {  	_ =	swait.ge [sflag:s17], $0x80  }
0x35: {  	[sflag:s17] =	ssyncset.done $0x0  }
0x36: {  	[sflag:s17] =	ssyncadd.s32 $0xFFFFFF80  }
0x37: {  	[tilespmem:s25], [sflag:$0x1] =	stream.indirect.gather [hbm4b:s3+s19], $0x20, s1, s19, $0xb8;
	[tilespmem:$0x8648] =	vst v63  }
0x38: {  	_ = 	snop  }
0x39: {  	[tilespmem:s26], [sflag:$0x1] =	stream.indirect.gather [hbm4b:s4+s19], $0x20, s18, s19, $0xb8;
	[tilespmem:$0x8648] =	vst v63  }
0x3a: {  	s31 =	simm.s32 $0x1400  }
0x3b: {  	[tilespmem:s31], [sflag:$0x1] =	stream.indirect.gather [hbm4b:s3+s19], $0x20, s19, s19, $0xb8;
	[tilespmem:$0x8648] =	vst v63  }
0x3c: {  	s31 =	simm.s32 $0x5400  }
0x3d: {  	[tilespmem:s31], [sflag:$0x1] =	stream.indirect.gather [hbm4b:s4+s19], $0x20, s20, s19, $0xb8;
	[tilespmem:$0x8648] =	vst v63  }
0x3e: {  	s31 =	simm.s32 $0x2400  }
0x3f: {  	[tilespmem:s31], [sflag:$0x1] =	stream.indirect.gather [hbm4b:s3+s19], $0x20, s21, s19, $0xb8;
	[tilespmem:$0x8648] =	vst v63  }
0x40: {  	s31 =	simm.s32 $0x6400  }
0x41: {  	[tilespmem:s31], [sflag:$0x1] =	stream.indirect.gather [hbm4b:s4+s19], $0x20, s22, s19, $0xb8;
	[tilespmem:$0x8648] =	vst v63  }
0x42: {  	_ = 	snop  }
0x43: {  	[tilespmem:s0], [sflag:$0x1] =	stream.indirect.gather [hbm4b:s3+s19], $0x20, s23, s19, $0xb8;
	[tilespmem:$0x8648] =	vst v63  }
0x44: {  	_ = 	snop  }
0x45: {  	[tilespmem:s2], [sflag:$0x1] =	stream.indirect.gather [hbm4b:s4+s19], $0x20, s24, s19, $0xb8;
	[tilespmem:$0x8648] =	vst v63  }
0x46: {  	_ =	swait.ge [sflag:s28], $0x1000  }
0x47: {  	[sflag:s28] =	ssyncset.done $0x0  }
0x48: {  	[sflag:s28] =	ssyncadd.s32 $0xFFFFF000  }
0x49: {  	_ =	swait.ge [sflag:s28], $0x1000  }
0x4a: {  	[sflag:s28] =	ssyncset.done $0x0  }
0x4b: {  	[sflag:s28] =	ssyncadd.s32 $0xFFFFF000  }
0x4c: {  	_ =	swait.ge [sflag:s28], $0x1000  }
0x4d: {  	[sflag:s28] =	ssyncset.done $0x0  }
0x4e: {  	[sflag:s28] =	ssyncadd.s32 $0xFFFFF000  }
0x4f: {  	_ =	swait.ge [sflag:s28], $0x1000  }
0x50: {  	[sflag:s28] =	ssyncset.done $0x0  }
0x51: {  	[sflag:s28] =	ssyncadd.s32 $0xFFFFF000  }
0x52: {  	_ =	swait.ge [sflag:s28], $0x1000  }
0x53: {  	[sflag:s28] =	ssyncset.done $0x0  }
0x54: {  	[sflag:s28] =	ssyncadd.s32 $0xFFFFF000  }
0x55: {  	_ =	swait.ge [sflag:s28], $0x1000  }
0x56: {  	[sflag:s28] =	ssyncset.done $0x0  }
0x57: {  	[sflag:s28] =	ssyncadd.s32 $0xFFFFF000  }
0x58: {  	_ =	swait.ge [sflag:s28], $0x1000  }
0x59: {  	v3 =	vmov s1;
	[sflag:s28] =	ssyncset.done $0x0  }
0x5a: {  	v4 =	vshll.u32 v3, $0x5;
	[sflag:s28] =	ssyncadd.s32 $0xFFFFF000  }
0x5b: {  	v7 =	vor.u32 v0, v4;
	_ =	swait.ge [sflag:s28], $0x1000  }
0x5c: {  	v8 =	vor.u32 v2, v4;
	[sflag:s28] =	ssyncset.done $0x0  }
0x5d: {  	[sflag:s28] =	ssyncadd.s32 $0xFFFFF000  }
0x5e: {  	v4 =	vld [tilespmem:$0x8400]  }
0x5f: {  	v5 =	vld [tilespmem:$0x8410]  }
0x60: {  	v9 =	vld.idx.msk [tilespmem:v7+s25+$0x0], $0xffff  }
0x61: {  	v10 =	vld.idx.msk [tilespmem:v8+s25+$0x0], $0xffff  }
0x62: {  	v6 =	vld [tilespmem:$0x8420]  }
0x63: {  	v11 =	vld.idx.msk [tilespmem:v7+s26+$0x0], $0xffff  }
0x64: {  	v7 =	vld [tilespmem:$0x8430]  }
0x65: {  	v8 =	vld.idx.msk [tilespmem:v8+s26+$0x0], $0xffff  }
0x66: {  	v9 =	vmul.f32 v9, v4;
	v10 =	vmul.f32 v10, v5;
	_ =	sdelay $0x1  }
0x67: {  	v9 =	vadd.f32 v10, v9;
	v10 =	vmul.f32 v11, v6;
	_ =	sdelay $0x1  }
0x68: {  	v8 =	vmul.f32 v8, v7;
	v9 =	vadd.f32 v10, v9;
	_ =	sdelay $0x1  }
0x69: {  	v10 =	vadd.f32 v8, v9;
	_ =	sdelay $0x1  }
0x6a: {  	(xrf2) =	vadd.scan.msk.f32 $0xffff, v10;
	_ =	sdelay $0x5  }
0x6b: {  	s31 =	simm.s32 $0x1;
	v8 =	vld.idx.msk [tilespmem:v1+s16+$0x0], $0xffff  }
0x6c: {  	v9 =	vmov s31  }
0x6d: {  	s31 =	simm.s32 $0x2;
	v10 =	vshll.u32 v9, $0x5  }
.LBB2_2:
0x6e: {  	p0 =	sne.s32 s31, $0x1FF;
	v11 =	vor.u32 v0, v10  }
0x6f: {  	v10 =	vor.u32 v2, v10;
	v12, _, _ =	vpop (xrf2)  }
0x70: {  	v12 =	vadd.f32 v12, v8;
	_ =	sdelay $0x1  }
0x71: {  	[tilespmem:v3+s29+$0x0] =	vst.idx.msk vm0, v12;
	v3 =	vmov v9  }
0x72: {  	v9 =	vld.idx.msk [tilespmem:v11+s25+$0x0], $0xffff  }
0x73: {  	v12 =	vld.idx.msk [tilespmem:v10+s25+$0x0], $0xffff;
	_ =	sdelay $0x1  }
0x74: {  	v11 =	vld.idx.msk [tilespmem:v11+s26+$0x0], $0xffff;
	_ =	sdelay $0x1  }
0x75: {  	v10 =	vld.idx.msk [tilespmem:v10+s26+$0x0], $0xffff;
	_ =	sdelay $0x1  }
0x76: {  	v9 =	vmul.f32 v9, v4;
	v12 =	vmul.f32 v12, v5;
	_ =	sdelay $0x1  }
0x77: {  	v9 =	vadd.f32 v12, v9;
	v11 =	vmul.f32 v11, v6;
	_ =	sdelay $0x1  }
0x78: {  	v9 =	vadd.f32 v11, v9;
	v10 =	vmul.f32 v10, v7;
	_ =	sdelay $0x1  }
0x79: {  	v9 =	vadd.f32 v10, v9;
	_ =	sdelay $0x1  }
0x7a: {  	(xrf2) =	vadd.scan.msk.f32 $0xffff, v9;
	_ =	sdelay $0x3  }
.Ltmp0:
0x7b: {  	(pc) =	sbr.rel @p0 .LBB2_2-.Ltmp0, $3  }
0x7c: {  	_ =	sdelay $0x1  }
0x7d: {  	v9 =	vmov s31  }
0x7e: {  	s31 =	sadd.s32 $0x1, s31;
	v10 =	vshll.u32 v9, $0x5  }
0x7f: {  	_ = 	snop  }
0x80: {  	v11 =	vor.u32 v0, v10  }
0x81: {  	v60 =	vor.u32 v2, v10;
	v12, _, _ =	vpop (xrf2)  }
0x82: {  	v12 =	vadd.f32 v12, v8;
	_ =	sdelay $0x1  }
0x83: {  	[tilespmem:v3+s29+$0x0] =	vst.idx.msk vm0, v12  }
0x84: {  	v3 =	vld.idx.msk [tilespmem:v11+s25+$0x0], $0xffff  }
0x85: {  	v12 =	vld.idx.msk [tilespmem:v60+s25+$0x0], $0xffff;
	_ =	sdelay $0x1  }
0x86: {  	v11 =	vld.idx.msk [tilespmem:v11+s26+$0x0], $0xffff;
	_ =	sdelay $0x1  }
0x87: {  	v10 =	vld.idx.msk [tilespmem:v60+s26+$0x0], $0xffff  }
0x88: {  	v3 =	vmul.f32 v3, v4;
	v61 =	vmul.f32 v12, v5;
	_ =	sdelay $0x1  }
0x89: {  	v62 =	vmul.f32 v11, v6;
	v3 =	vadd.f32 v61, v3;
	_ =	sdelay $0x1  }
0x8a: {  	v63 =	vmul.f32 v10, v7;
	v3 =	vadd.f32 v62, v3;
	_ =	sdelay $0x1  }
0x8b: {  	v3 =	vadd.f32 v63, v3;
	_ =	sdelay $0x1  }
0x8c: {  	(xrf2) =	vadd.scan.msk.f32 $0xffff, v3;
	_ =	sdelay $0x9  }
0x8d: {  	v3, _, _ =	vpop (xrf2)  }
0x8e: {  	s30 =	sadd.s32 $0x1, s30;
	v3 =	vadd.f32 v3, v8  }
0x8f: {  	p0 =	sne.s32 s30, s15  }
.Ltmp1:
0x90: {  	[tilespmem:v9+s29+$0x0] =	vst.idx.msk vm0, v3;
	(pc) =	sbr.rel @p0 .LBB2_1-.Ltmp1, $4  }
0x91: {  	[hbm4b:s14+s1] =	stream.linear.scatter [tilespmem:s29], [sflag:$0x2], $0x200, $0x38;
	[tilespmem:$0x8648] =	vst v63  }
0x92: {  	_ =	swait.ge [sflag:s17], $0x200  }
0x93: {  	[sflag:s17] =	ssyncset.done $0x0  }
0x94: {  	[sflag:s17] =	ssyncadd.s32 $0xFFFFFE00  }
0x95: {  	_ =	sfence.sel $0x180000  }
0x96: {  	[bflag:$0x0] =	sbarrier.arrive $0xFFFF  }
0x97: {  	_ =	strace $0x90000047  }
0x98: {  	s0 =	stileid.u32;
	[bflag:$0x2] =	sbarrier.arrive $0xFFFF  }
0x99: {  	p0 =	sne.s32 s0, $0x0;
	s0 =	rddreg [dreg:$0x4]  }
0x9a: {  	s0 =	sadd.s32 @!p0 $0x100000, s0  }
0x9b: {  	[sflag:s0] =	ssyncadd.tile.s32 @!p0 $0x1;
	_ =	shalt  }
.Lfunc_end2:
_tile_overlayer_lowered:
.L_overlay_start_2:
0x9c: {  	(tag) =	ssettag $0x2  }
0x9d: {  	s0 =	rddreg [dreg:$0x0];
	s2 =	stileid.u32  }
0x9e: {  	s1 =	rddreg [dreg:$0x1];
	p0 =	sne.s32 s2, $0x0  }
0x9f: {  	s3 =	rddreg [dreg:$0x2];
	[bflag:$0x3] =	sbarrier.arrive $0xFFFF;
	s2 =	simm.s32 @!p0 $0x1C02  }
0xa0: {  	[timem:s3], [sflag:s2] =	dma.local @!p0 [hbm:s0], s1  }
0xa1: {  	s0 =	simm.s32 @!p0 $0x2  }
0xa2: {  	_ =	swait.ge @!p0 [sflag:s0], s1  }
0xa3: {  	s1 =	ssub.s32 @!p0 $0x0, s1;
	[sflag:s0] =	ssyncset.done @!p0 $0x0  }
0xa4: {  	[sflag:s0] =	ssyncadd.s32 @!p0 s1  }
0xa5: {  	[bflag:$0x3] =	sbarrier.arrive $0xFFFF  }
0xa6: {  	_ =	shalt  }

</sc_bundles>
